<compile_context>
chip_gen: v7x
topology: tpu7x:2x2x1
jax: 0.10.2.dev20260603
libtpu: 0.0.44.dev20260713+nightly
codegen_flags: <defaults>
</compile_context>

<pallas_src>
import functools

import jax
import jax.numpy as jnp
from jax import lax
from jax.experimental import pallas as pl
from jax.experimental.pallas import tpu as pltpu
from jax.experimental.pallas import tpu_sc as plsc

_MAXD = 128
_H = 16
_S = 2048
_T = 2 * _MAXD + 1
_EW = 2 * _S - 1
_WPAD = 4096
_NTILES = 32
_ROWS_PER_TILE = _H * _S // _NTILES
_GROUP = 8


def _sc_expand(e8):
    mesh = plsc.VectorSubcoreMesh(core_axis_name="c", subcore_axis_name="s")

    @functools.partial(
        pl.kernel,
        out_type=jax.ShapeDtypeStruct((_H * _S * _S,), jnp.float32),
        mesh=mesh,
        scratch_types=[
            pltpu.VMEM((8 * _WPAD,), jnp.float32),
            pltpu.SemaphoreType.DMA,
        ],
    )
    def expand(e8_hbm, out_hbm, e8_v, sem):
        wid = lax.axis_index("s") * 2 + lax.axis_index("c")
        head = wid // 2
        half = wid % 2
        pltpu.sync_copy(e8_hbm.at[head], e8_v)

        def fire_group(g):
            copies = []
            for b in range(_GROUP):
                i_local = half * _ROWS_PER_TILE + g * _GROUP + b
                start = (_S - 1) - i_local
                r = lax.rem(start, 8)
                off = start - r
                src_off = pl.multiple_of(r * _WPAD + off, 8)
                src = e8_v.at[pl.ds(src_off, _S)]
                dst_off = pl.multiple_of((head * _S + i_local) * _S, 8)
                dst = out_hbm.at[pl.ds(dst_off, _S)]
                copies.append(pltpu.async_copy(src, dst, sem))
            return copies

        n_groups = _ROWS_PER_TILE // _GROUP

        def group_body(g, carry):
            for c in fire_group(g + 1):
                c.wait()
            return carry

        fire_group(0)
        lax.fori_loop(0, n_groups - 1, group_body, 0)
        tail = fire_group(0)
        for c in tail:
            c.wait()
        for c in tail:
            c.wait()

    return expand(e8)


def kernel(seq_len, rel_emb):
    del seq_len
    e = jnp.concatenate(
        [
            jnp.broadcast_to(rel_emb[0], (_S - 1 - _MAXD, _H)),
            rel_emb,
            jnp.broadcast_to(rel_emb[_T - 1], (_S - 1 - _MAXD, _H)),
        ],
        axis=0,
    )
    e_pad = jnp.pad(e, ((0, _WPAD + 8 - _EW), (0, 0)))
    e8 = jnp.stack([e_pad[r:r + _WPAD] for r in range(8)], 0)
    e8 = jnp.transpose(e8, (2, 0, 1)).reshape(_H, 8 * _WPAD)
    out = _sc_expand(e8)
    return out.reshape(_H, _S, _S)

# --- scband reference (transcript-rebuilt; emitter-appended) ---
"""Pipeline reference for scband-relative-position-bias-60378650247487 (READ-ONLY COPY).

The authoritative reference and input builder live on the scoring server;
editing this copy changes nothing except your own understanding.
"""

import jax, jax.numpy as jnp
import numpy as np

MAX_DISTANCE = 128
N_HEADS = 16
SEQ_LEN = 2048


def setup_inputs(seed: int = 0) -> dict:
    key = jax.random.key(seed)
    rel_emb = jax.random.normal(key, (2 * MAX_DISTANCE + 1, N_HEADS), dtype=jnp.float32) * 0.02
    return {"seq_len": 2048, "rel_emb": rel_emb}


def reference(seq_len, rel_emb):
    idxs = jnp.arange(SEQ_LEN) + (seq_len - SEQ_LEN)
    rel = idxs[None, :] - idxs[:, None]
    clipped = jnp.clip(rel, -MAX_DISTANCE, MAX_DISTANCE) + MAX_DISTANCE
    biases = jnp.take(rel_emb, clipped, axis=0)  # [S, S, H]
    return jnp.transpose(biases, (2, 0, 1))  # [H, S, S]

if __name__ == "__main__":
    import jax
    _d = setup_inputs()
    print(jax.jit(kernel)(*tuple(_d.values())))

</pallas_src>

<mosaic_0001>
#map = affine_map<(d0, d1) -> (0, 0)>
#map1 = affine_map<(d0, d1) -> (0)>
module attributes {stable_mosaic.version = 14 : i64} {
  func.func @expand(%arg0: i32, %arg1: i32, %arg2: memref<16x32768xf32, #tpu.memory_space<hbm>>, %arg3: memref<67108864xf32, #tpu.memory_space<hbm>>, %arg4: memref<32768xf32, #tpu.memory_space<vmem>>, %arg5: memref<!tpu.dma_semaphore, #tpu.memory_space<semaphore_mem>>) attributes {dimension_semantics = [#tpu.dimension_semantics<core_parallel>, #tpu.dimension_semantics<subcore_parallel>], iteration_bounds = array<i64: 2, 16>, scalar_prefetch = 0 : i64, scratch_operands = 2 : i64, tpu.core_type = #tpu.core_type<sc_vector_subcore>, window_params = [{transform_indices = #map}, {transform_indices = #map1}]} {
    %mul3A = arith.constant 2 : i32
    %mul3A_0 = arith.muli %arg1, %mul3A : i32
    %add3A = arith.addi %mul3A_0, %arg0 : i32
    %jit3A = arith.constant 2 : i32
    %div3A = arith.divsi %add3A, %jit3A : i32
    %sign3A = arith.constant 0 : i32
    %sign3A_1 = arith.cmpi sgt, %add3A, %sign3A : i32
    %sign3A_2 = arith.extui %sign3A_1 : i1 to i32
    %sign3A_3 = arith.constant 0 : i32
    %sign3A_4 = arith.cmpi slt, %add3A, %sign3A_3 : i32
    %sign3A_5 = arith.extui %sign3A_4 : i1 to i32
    %sign3A_6 = arith.subi %sign3A_2, %sign3A_5 : i32
    %sign3A_7 = arith.constant 0 : i32
    %sign3A_8 = arith.cmpi sgt, %jit3A, %sign3A_7 : i32
    %sign3A_9 = arith.extui %sign3A_8 : i1 to i32
    %sign3A_10 = arith.constant 0 : i32
    %sign3A_11 = arith.cmpi slt, %jit3A, %sign3A_10 : i32
    %sign3A_12 = arith.extui %sign3A_11 : i1 to i32
    %sign3A_13 = arith.subi %sign3A_9, %sign3A_12 : i32
    %ne3A = arith.cmpi ne, %sign3A_6, %sign3A_13 : i32
    %rem3A = arith.remsi %add3A, %jit3A : i32
    %ne3A_14 = arith.constant 0 : i32
    %ne3A_15 = arith.cmpi ne, %rem3A, %ne3A_14 : i32
    %and3A = arith.andi %ne3A, %ne3A_15 : i1
    %sub3A = arith.constant 1 : i32
    %sub3A_16 = arith.subi %div3A, %sub3A : i32
    %select_n3A = arith.select %and3A, %sub3A_16, %div3A : i32
    %jit3A_17 = arith.constant 2 : i32
    %eq3A = arith.constant 0 : i32
    %eq3A_18 = arith.cmpi eq, %jit3A_17, %eq3A : i32
    %jit3A_19 = arith.constant 1 : i32
    %select_n3A_20 = arith.select %eq3A_18, %jit3A_19, %jit3A_17 : i32
    %rem3A_21 = arith.remsi %add3A, %select_n3A_20 : i32
    %ne3A_22 = arith.constant 0 : i32
    %ne3A_23 = arith.cmpi ne, %rem3A_21, %ne3A_22 : i32
    %lt3A = arith.constant 0 : i32
    %lt3A_24 = arith.cmpi slt, %rem3A_21, %lt3A : i32
    %lt3A_25 = arith.constant 0 : i32
    %lt3A_26 = arith.cmpi slt, %select_n3A_20, %lt3A_25 : i32
    %ne3A_27 = arith.xori %lt3A_24, %lt3A_26 : i1
    %and3A_28 = arith.andi %ne3A_27, %ne3A_23 : i1
    %add3A_29 = arith.addi %rem3A_21, %select_n3A_20 : i32
    %select_n3A_30 = arith.select %and3A_28, %add3A_29, %rem3A_21 : i32
    "tpu.region"() ({
      %run_scoped3A = tpu.sem_alloc : memref<!tpu.dma_semaphore, #tpu.memory_space<semaphore_mem>>
      %dma_start3A_497 = arith.constant 0 : i32
      %dma_start3A_498 = tpu.memref_slice %arg2[%select_n3A, %dma_start3A_497] : memref<16x32768xf32, #tpu.memory_space<hbm>> -> memref<1x32768xf32, #tpu.memory_space<hbm>>
      %dma_start3A_499 = tpu.memref_squeeze %dma_start3A_498 : memref<1x32768xf32, #tpu.memory_space<hbm>> -> memref<32768xf32, #tpu.memory_space<hbm>>
      %dma_start3A_500 = arith.constant 0 : i32
      %dma_start3A_501 = tpu.memref_slice %arg2[%select_n3A, %dma_start3A_500] : memref<16x32768xf32, #tpu.memory_space<hbm>> -> memref<1x32768xf32, #tpu.memory_space<hbm>>
      %dma_start3A_502 = tpu.memref_squeeze %dma_start3A_501 : memref<1x32768xf32, #tpu.memory_space<hbm>> -> memref<32768xf32, #tpu.memory_space<hbm>>
      tpu.enqueue_dma source(%dma_start3A_502 : memref<32768xf32, #tpu.memory_space<hbm>>) target(%arg4 : memref<32768xf32, #tpu.memory_space<vmem>>) target_semaphore(%run_scoped3A : memref<!tpu.dma_semaphore, #tpu.memory_space<semaphore_mem>>)
      %dma_wait3A_503 = arith.constant 0 : i32
      %dma_wait3A_504 = tpu.memref_slice %arg2[%select_n3A, %dma_wait3A_503] : memref<16x32768xf32, #tpu.memory_space<hbm>> -> memref<1x32768xf32, #tpu.memory_space<hbm>>
      %dma_wait3A_505 = tpu.memref_squeeze %dma_wait3A_504 : memref<1x32768xf32, #tpu.memory_space<hbm>> -> memref<32768xf32, #tpu.memory_space<hbm>>
      %dma_wait3A_506 = arith.constant 0 : i32
      %dma_wait3A_507 = tpu.memref_slice %arg2[%select_n3A, %dma_wait3A_506] : memref<16x32768xf32, #tpu.memory_space<hbm>> -> memref<1x32768xf32, #tpu.memory_space<hbm>>
      %dma_wait3A_508 = tpu.memref_squeeze %dma_wait3A_507 : memref<1x32768xf32, #tpu.memory_space<hbm>> -> memref<32768xf32, #tpu.memory_space<hbm>>
      tpu.wait_dma2 semaphore(%run_scoped3A : memref<!tpu.dma_semaphore, #tpu.memory_space<semaphore_mem>>) src(%dma_wait3A_508 : memref<32768xf32, #tpu.memory_space<hbm>>) dst(%arg4 : memref<32768xf32, #tpu.memory_space<vmem>>)
      tpu.yield
    }) : () -> ()
    %mul3A_31 = arith.constant 1024 : i32
    %mul3A_32 = arith.muli %select_n3A_30, %mul3A_31 : i32
    %add3A_33 = arith.constant 0 : i32
    %add3A_34 = arith.addi %mul3A_32, %add3A_33 : i32
    %add3A_35 = arith.constant 0 : i32
    %add3A_36 = arith.addi %add3A_34, %add3A_35 : i32
    %sub3A_37 = arith.constant 2047 : i32
    %sub3A_38 = arith.subi %sub3A_37, %add3A_36 : i32
    %rem3A_39 = arith.constant 8 : i32
    %rem3A_40 = arith.remsi %sub3A_38, %rem3A_39 : i32
    %sub3A_41 = arith.subi %sub3A_38, %rem3A_40 : i32
    %mul3A_42 = arith.constant 4096 : i32
    %mul3A_43 = arith.muli %rem3A_40, %mul3A_42 : i32
    %add3A_44 = arith.addi %mul3A_43, %sub3A_41 : i32
    %multiple_of3A = tpu.assume_multiple %add3A_44, 8 : i32
    %mul3A_45 = arith.constant 2048 : i32
    %mul3A_46 = arith.muli %select_n3A, %mul3A_45 : i32
    %add3A_47 = arith.addi %mul3A_46, %add3A_36 : i32
    %mul3A_48 = arith.constant 2048 : i32
    %mul3A_49 = arith.muli %add3A_47, %mul3A_48 : i32
    %multiple_of3A_50 = tpu.assume_multiple %mul3A_49, 8 : i32
    %dma_start3A = tpu.memref_slice %arg4[%multiple_of3A] : memref<32768xf32, #tpu.memory_space<vmem>> -> memref<2048xf32, #tpu.memory_space<vmem>>
    %dma_start3A_51 = tpu.memref_slice %arg3[%multiple_of3A_50] : memref<67108864xf32, #tpu.memory_space<hbm>> -> memref<2048xf32, #tpu.memory_space<hbm>>
    %dma_start3A_52 = tpu.memref_slice %arg3[%multiple_of3A_50] : memref<67108864xf32, #tpu.memory_space<hbm>> -> memref<2048xf32, #tpu.memory_space<hbm>>
    %dma_start3A_53 = tpu.memref_slice %arg4[%multiple_of3A] : memref<32768xf32, #tpu.memory_space<vmem>> -> memref<2048xf32, #tpu.memory_space<vmem>>
    tpu.enqueue_dma source(%dma_start3A_53 : memref<2048xf32, #tpu.memory_space<vmem>>) target(%dma_start3A_52 : memref<2048xf32, #tpu.memory_space<hbm>>) target_semaphore(%arg5 : memref<!tpu.dma_semaphore, #tpu.memory_space<semaphore_mem>>)
    %mul3A_54 = arith.constant 1024 : i32
    %mul3A_55 = arith.muli %select_n3A_30, %mul3A_54 : i32
    %add3A_56 = arith.constant 0 : i32
    %add3A_57 = arith.addi %mul3A_55, %add3A_56 : i32
    %add3A_58 = arith.constant 1 : i32
    %add3A_59 = arith.addi %add3A_57, %add3A_58 : i32
    %sub3A_60 = arith.constant 2047 : i32
    %sub3A_61 = arith.subi %sub3A_60, %add3A_59 : i32
    %rem3A_62 = arith.constant 8 : i32
    %rem3A_63 = arith.remsi %sub3A_61, %rem3A_62 : i32
    %sub3A_64 = arith.subi %sub3A_61, %rem3A_63 : i32
    %mul3A_65 = arith.constant 4096 : i32
    %mul3A_66 = arith.muli %rem3A_63, %mul3A_65 : i32
    %add3A_67 = arith.addi %mul3A_66, %sub3A_64 : i32
    %multiple_of3A_68 = tpu.assume_multiple %add3A_67, 8 : i32
    %mul3A_69 = arith.constant 2048 : i32
    %mul3A_70 = arith.muli %select_n3A, %mul3A_69 : i32
    %add3A_71 = arith.addi %mul3A_70, %add3A_59 : i32
    %mul3A_72 = arith.constant 2048 : i32
    %mul3A_73 = arith.muli %add3A_71, %mul3A_72 : i32
    %multiple_of3A_74 = tpu.assume_multiple %mul3A_73, 8 : i32
    %dma_start3A_75 = tpu.memref_slice %arg4[%multiple_of3A_68] : memref<32768xf32, #tpu.memory_space<vmem>> -> memref<2048xf32, #tpu.memory_space<vmem>>
    %dma_start3A_76 = tpu.memref_slice %arg3[%multiple_of3A_74] : memref<67108864xf32, #tpu.memory_space<hbm>> -> memref<2048xf32, #tpu.memory_space<hbm>>
    %dma_start3A_77 = tpu.memref_slice %arg3[%multiple_of3A_74] : memref<67108864xf32, #tpu.memory_space<hbm>> -> memref<2048xf32, #tpu.memory_space<hbm>>
    %dma_start3A_78 = tpu.memref_slice %arg4[%multiple_of3A_68] : memref<32768xf32, #tpu.memory_space<vmem>> -> memref<2048xf32, #tpu.memory_space<vmem>>
    tpu.enqueue_dma source(%dma_start3A_78 : memref<2048xf32, #tpu.memory_space<vmem>>) target(%dma_start3A_77 : memref<2048xf32, #tpu.memory_space<hbm>>) target_semaphore(%arg5 : memref<!tpu.dma_semaphore, #tpu.memory_space<semaphore_mem>>)
    %mul3A_79 = arith.constant 1024 : i32
    %mul3A_80 = arith.muli %select_n3A_30, %mul3A_79 : i32
    %add3A_81 = arith.constant 0 : i32
    %add3A_82 = arith.addi %mul3A_80, %add3A_81 : i32
    %add3A_83 = arith.constant 2 : i32
    %add3A_84 = arith.addi %add3A_82, %add3A_83 : i32
    %sub3A_85 = arith.constant 2047 : i32
    %sub3A_86 = arith.subi %sub3A_85, %add3A_84 : i32
    %rem3A_87 = arith.constant 8 : i32
    %rem3A_88 = arith.remsi %sub3A_86, %rem3A_87 : i32
    %sub3A_89 = arith.subi %sub3A_86, %rem3A_88 : i32
    %mul3A_90 = arith.constant 4096 : i32
    %mul3A_91 = arith.muli %rem3A_88, %mul3A_90 : i32
    %add3A_92 = arith.addi %mul3A_91, %sub3A_89 : i32
    %multiple_of3A_93 = tpu.assume_multiple %add3A_92, 8 : i32
    %mul3A_94 = arith.constant 2048 : i32
    %mul3A_95 = arith.muli %select_n3A, %mul3A_94 : i32
    %add3A_96 = arith.addi %mul3A_95, %add3A_84 : i32
    %mul3A_97 = arith.constant 2048 : i32
    %mul3A_98 = arith.muli %add3A_96, %mul3A_97 : i32
    %multiple_of3A_99 = tpu.assume_multiple %mul3A_98, 8 : i32
    %dma_start3A_100 = tpu.memref_slice %arg4[%multiple_of3A_93] : memref<32768xf32, #tpu.memory_space<vmem>> -> memref<2048xf32, #tpu.memory_space<vmem>>
    %dma_start3A_101 = tpu.memref_slice %arg3[%multiple_of3A_99] : memref<67108864xf32, #tpu.memory_space<hbm>> -> memref<2048xf32, #tpu.memory_space<hbm>>
    %dma_start3A_102 = tpu.memref_slice %arg3[%multiple_of3A_99] : memref<67108864xf32, #tpu.memory_space<hbm>> -> memref<2048xf32, #tpu.memory_space<hbm>>
    %dma_start3A_103 = tpu.memref_slice %arg4[%multiple_of3A_93] : memref<32768xf32, #tpu.memory_space<vmem>> -> memref<2048xf32, #tpu.memory_space<vmem>>
    tpu.enqueue_dma source(%dma_start3A_103 : memref<2048xf32, #tpu.memory_space<vmem>>) target(%dma_start3A_102 : memref<2048xf32, #tpu.memory_space<hbm>>) target_semaphore(%arg5 : memref<!tpu.dma_semaphore, #tpu.memory_space<semaphore_mem>>)
    %mul3A_104 = arith.constant 1024 : i32
    %mul3A_105 = arith.muli %select_n3A_30, %mul3A_104 : i32
    %add3A_106 = arith.constant 0 : i32
    %add3A_107 = arith.addi %mul3A_105, %add3A_106 : i32
    %add3A_108 = arith.constant 3 : i32
    %add3A_109 = arith.addi %add3A_107, %add3A_108 : i32
    %sub3A_110 = arith.constant 2047 : i32
    %sub3A_111 = arith.subi %sub3A_110, %add3A_109 : i32
    %rem3A_112 = arith.constant 8 : i32
    %rem3A_113 = arith.remsi %sub3A_111, %rem3A_112 : i32
    %sub3A_114 = arith.subi %sub3A_111, %rem3A_113 : i32
    %mul3A_115 = arith.constant 4096 : i32
    %mul3A_116 = arith.muli %rem3A_113, %mul3A_115 : i32
    %add3A_117 = arith.addi %mul3A_116, %sub3A_114 : i32
    %multiple_of3A_118 = tpu.assume_multiple %add3A_117, 8 : i32
    %mul3A_119 = arith.constant 2048 : i32
    %mul3A_120 = arith.muli %select_n3A, %mul3A_119 : i32
    %add3A_121 = arith.addi %mul3A_120, %add3A_109 : i32
    %mul3A_122 = arith.constant 2048 : i32
    %mul3A_123 = arith.muli %add3A_121, %mul3A_122 : i32
    %multiple_of3A_124 = tpu.assume_multiple %mul3A_123, 8 : i32
    %dma_start3A_125 = tpu.memref_slice %arg4[%multiple_of3A_118] : memref<32768xf32, #tpu.memory_space<vmem>> -> memref<2048xf32, #tpu.memory_space<vmem>>
    %dma_start3A_126 = tpu.memref_slice %arg3[%multiple_of3A_124] : memref<67108864xf32, #tpu.memory_space<hbm>> -> memref<2048xf32, #tpu.memory_space<hbm>>
    %dma_start3A_127 = tpu.memref_slice %arg3[%multiple_of3A_124] : memref<67108864xf32, #tpu.memory_space<hbm>> -> memref<2048xf32, #tpu.memory_space<hbm>>
    %dma_start3A_128 = tpu.memref_slice %arg4[%multiple_of3A_118] : memref<32768xf32, #tpu.memory_space<vmem>> -> memref<2048xf32, #tpu.memory_space<vmem>>
    tpu.enqueue_dma source(%dma_start3A_128 : memref<2048xf32, #tpu.memory_space<vmem>>) target(%dma_start3A_127 : memref<2048xf32, #tpu.memory_space<hbm>>) target_semaphore(%arg5 : memref<!tpu.dma_semaphore, #tpu.memory_space<semaphore_mem>>)
    %mul3A_129 = arith.constant 1024 : i32
    %mul3A_130 = arith.muli %select_n3A_30, %mul3A_129 : i32
    %add3A_131 = arith.constant 0 : i32
    %add3A_132 = arith.addi %mul3A_130, %add3A_131 : i32
    %add3A_133 = arith.constant 4 : i32
    %add3A_134 = arith.addi %add3A_132, %add3A_133 : i32
    %sub3A_135 = arith.constant 2047 : i32
    %sub3A_136 = arith.subi %sub3A_135, %add3A_134 : i32
    %rem3A_137 = arith.constant 8 : i32
    %rem3A_138 = arith.remsi %sub3A_136, %rem3A_137 : i32
    %sub3A_139 = arith.subi %sub3A_136, %rem3A_138 : i32
    %mul3A_140 = arith.constant 4096 : i32
    %mul3A_141 = arith.muli %rem3A_138, %mul3A_140 : i32
    %add3A_142 = arith.addi %mul3A_141, %sub3A_139 : i32
    %multiple_of3A_143 = tpu.assume_multiple %add3A_142, 8 : i32
    %mul3A_144 = arith.constant 2048 : i32
    %mul3A_145 = arith.muli %select_n3A, %mul3A_144 : i32
    %add3A_146 = arith.addi %mul3A_145, %add3A_134 : i32
    %mul3A_147 = arith.constant 2048 : i32
    %mul3A_148 = arith.muli %add3A_146, %mul3A_147 : i32
    %multiple_of3A_149 = tpu.assume_multiple %mul3A_148, 8 : i32
    %dma_start3A_150 = tpu.memref_slice %arg4[%multiple_of3A_143] : memref<32768xf32, #tpu.memory_space<vmem>> -> memref<2048xf32, #tpu.memory_space<vmem>>
    %dma_start3A_151 = tpu.memref_slice %arg3[%multiple_of3A_149] : memref<67108864xf32, #tpu.memory_space<hbm>> -> memref<2048xf32, #tpu.memory_space<hbm>>
    %dma_start3A_152 = tpu.memref_slice %arg3[%multiple_of3A_149] : memref<67108864xf32, #tpu.memory_space<hbm>> -> memref<2048xf32, #tpu.memory_space<hbm>>
    %dma_start3A_153 = tpu.memref_slice %arg4[%multiple_of3A_143] : memref<32768xf32, #tpu.memory_space<vmem>> -> memref<2048xf32, #tpu.memory_space<vmem>>
    tpu.enqueue_dma source(%dma_start3A_153 : memref<2048xf32, #tpu.memory_space<vmem>>) target(%dma_start3A_152 : memref<2048xf32, #tpu.memory_space<hbm>>) target_semaphore(%arg5 : memref<!tpu.dma_semaphore, #tpu.memory_space<semaphore_mem>>)
    %mul3A_154 = arith.constant 1024 : i32
    %mul3A_155 = arith.muli %select_n3A_30, %mul3A_154 : i32
    %add3A_156 = arith.constant 0 : i32
    %add3A_157 = arith.addi %mul3A_155, %add3A_156 : i32
    %add3A_158 = arith.constant 5 : i32
    %add3A_159 = arith.addi %add3A_157, %add3A_158 : i32
    %sub3A_160 = arith.constant 2047 : i32
    %sub3A_161 = arith.subi %sub3A_160, %add3A_159 : i32
    %rem3A_162 = arith.constant 8 : i32
    %rem3A_163 = arith.remsi %sub3A_161, %rem3A_162 : i32
    %sub3A_164 = arith.subi %sub3A_161, %rem3A_163 : i32
    %mul3A_165 = arith.constant 4096 : i32
    %mul3A_166 = arith.muli %rem3A_163, %mul3A_165 : i32
    %add3A_167 = arith.addi %mul3A_166, %sub3A_164 : i32
    %multiple_of3A_168 = tpu.assume_multiple %add3A_167, 8 : i32
    %mul3A_169 = arith.constant 2048 : i32
    %mul3A_170 = arith.muli %select_n3A, %mul3A_169 : i32
    %add3A_171 = arith.addi %mul3A_170, %add3A_159 : i32
    %mul3A_172 = arith.constant 2048 : i32
    %mul3A_173 = arith.muli %add3A_171, %mul3A_172 : i32
    %multiple_of3A_174 = tpu.assume_multiple %mul3A_173, 8 : i32
    %dma_start3A_175 = tpu.memref_slice %arg4[%multiple_of3A_168] : memref<32768xf32, #tpu.memory_space<vmem>> -> memref<2048xf32, #tpu.memory_space<vmem>>
    %dma_start3A_176 = tpu.memref_slice %arg3[%multiple_of3A_174] : memref<67108864xf32, #tpu.memory_space<hbm>> -> memref<2048xf32, #tpu.memory_space<hbm>>
    %dma_start3A_177 = tpu.memref_slice %arg3[%multiple_of3A_174] : memref<67108864xf32, #tpu.memory_space<hbm>> -> memref<2048xf32, #tpu.memory_space<hbm>>
    %dma_start3A_178 = tpu.memref_slice %arg4[%multiple_of3A_168] : memref<32768xf32, #tpu.memory_space<vmem>> -> memref<2048xf32, #tpu.memory_space<vmem>>
    tpu.enqueue_dma source(%dma_start3A_178 : memref<2048xf32, #tpu.memory_space<vmem>>) target(%dma_start3A_177 : memref<2048xf32, #tpu.memory_space<hbm>>) target_semaphore(%arg5 : memref<!tpu.dma_semaphore, #tpu.memory_space<semaphore_mem>>)
    %mul3A_179 = arith.constant 1024 : i32
    %mul3A_180 = arith.muli %select_n3A_30, %mul3A_179 : i32
    %add3A_181 = arith.constant 0 : i32
    %add3A_182 = arith.addi %mul3A_180, %add3A_181 : i32
    %add3A_183 = arith.constant 6 : i32
    %add3A_184 = arith.addi %add3A_182, %add3A_183 : i32
    %sub3A_185 = arith.constant 2047 : i32
    %sub3A_186 = arith.subi %sub3A_185, %add3A_184 : i32
    %rem3A_187 = arith.constant 8 : i32
    %rem3A_188 = arith.remsi %sub3A_186, %rem3A_187 : i32
    %sub3A_189 = arith.subi %sub3A_186, %rem3A_188 : i32
    %mul3A_190 = arith.constant 4096 : i32
    %mul3A_191 = arith.muli %rem3A_188, %mul3A_190 : i32
    %add3A_192 = arith.addi %mul3A_191, %sub3A_189 : i32
    %multiple_of3A_193 = tpu.assume_multiple %add3A_192, 8 : i32
    %mul3A_194 = arith.constant 2048 : i32
    %mul3A_195 = arith.muli %select_n3A, %mul3A_194 : i32
    %add3A_196 = arith.addi %mul3A_195, %add3A_184 : i32
    %mul3A_197 = arith.constant 2048 : i32
    %mul3A_198 = arith.muli %add3A_196, %mul3A_197 : i32
    %multiple_of3A_199 = tpu.assume_multiple %mul3A_198, 8 : i32
    %dma_start3A_200 = tpu.memref_slice %arg4[%multiple_of3A_193] : memref<32768xf32, #tpu.memory_space<vmem>> -> memref<2048xf32, #tpu.memory_space<vmem>>
    %dma_start3A_201 = tpu.memref_slice %arg3[%multiple_of3A_199] : memref<67108864xf32, #tpu.memory_space<hbm>> -> memref<2048xf32, #tpu.memory_space<hbm>>
    %dma_start3A_202 = tpu.memref_slice %arg3[%multiple_of3A_199] : memref<67108864xf32, #tpu.memory_space<hbm>> -> memref<2048xf32, #tpu.memory_space<hbm>>
    %dma_start3A_203 = tpu.memref_slice %arg4[%multiple_of3A_193] : memref<32768xf32, #tpu.memory_space<vmem>> -> memref<2048xf32, #tpu.memory_space<vmem>>
    tpu.enqueue_dma source(%dma_start3A_203 : memref<2048xf32, #tpu.memory_space<vmem>>) target(%dma_start3A_202 : memref<2048xf32, #tpu.memory_space<hbm>>) target_semaphore(%arg5 : memref<!tpu.dma_semaphore, #tpu.memory_space<semaphore_mem>>)
    %mul3A_204 = arith.constant 1024 : i32
    %mul3A_205 = arith.muli %select_n3A_30, %mul3A_204 : i32
    %add3A_206 = arith.constant 0 : i32
    %add3A_207 = arith.addi %mul3A_205, %add3A_206 : i32
    %add3A_208 = arith.constant 7 : i32
    %add3A_209 = arith.addi %add3A_207, %add3A_208 : i32
    %sub3A_210 = arith.constant 2047 : i32
    %sub3A_211 = arith.subi %sub3A_210, %add3A_209 : i32
    %rem3A_212 = arith.constant 8 : i32
    %rem3A_213 = arith.remsi %sub3A_211, %rem3A_212 : i32
    %sub3A_214 = arith.subi %sub3A_211, %rem3A_213 : i32
    %mul3A_215 = arith.constant 4096 : i32
    %mul3A_216 = arith.muli %rem3A_213, %mul3A_215 : i32
    %add3A_217 = arith.addi %mul3A_216, %sub3A_214 : i32
    %multiple_of3A_218 = tpu.assume_multiple %add3A_217, 8 : i32
    %mul3A_219 = arith.constant 2048 : i32
    %mul3A_220 = arith.muli %select_n3A, %mul3A_219 : i32
    %add3A_221 = arith.addi %mul3A_220, %add3A_209 : i32
    %mul3A_222 = arith.constant 2048 : i32
    %mul3A_223 = arith.muli %add3A_221, %mul3A_222 : i32
    %multiple_of3A_224 = tpu.assume_multiple %mul3A_223, 8 : i32
    %dma_start3A_225 = tpu.memref_slice %arg4[%multiple_of3A_218] : memref<32768xf32, #tpu.memory_space<vmem>> -> memref<2048xf32, #tpu.memory_space<vmem>>
    %dma_start3A_226 = tpu.memref_slice %arg3[%multiple_of3A_224] : memref<67108864xf32, #tpu.memory_space<hbm>> -> memref<2048xf32, #tpu.memory_space<hbm>>
    %dma_start3A_227 = tpu.memref_slice %arg3[%multiple_of3A_224] : memref<67108864xf32, #tpu.memory_space<hbm>> -> memref<2048xf32, #tpu.memory_space<hbm>>
    %dma_start3A_228 = tpu.memref_slice %arg4[%multiple_of3A_218] : memref<32768xf32, #tpu.memory_space<vmem>> -> memref<2048xf32, #tpu.memory_space<vmem>>
    tpu.enqueue_dma source(%dma_start3A_228 : memref<2048xf32, #tpu.memory_space<vmem>>) target(%dma_start3A_227 : memref<2048xf32, #tpu.memory_space<hbm>>) target_semaphore(%arg5 : memref<!tpu.dma_semaphore, #tpu.memory_space<semaphore_mem>>)
    %scan3A = arith.constant 0 : i32
    %scan3A_229 = arith.constant 0 : i32
    %scan3A_230 = arith.constant 127 : i32
    %scan3A_231 = arith.addi %scan3A_229, %scan3A_230 : i32
    %scan3A_232 = arith.constant 1 : i32
    scf.for %scan3A_497 = %scan3A_229 to %scan3A_231 step %scan3A_232  : i32 {
      %add3A_498 = arith.constant 1 : i32
      %add3A_499 = arith.addi %scan3A_497, %add3A_498 : i32
      %mul3A_500 = arith.constant 1024 : i32
      %mul3A_501 = arith.muli %select_n3A_30, %mul3A_500 : i32
      %mul3A_502 = arith.constant 8 : i32
      %mul3A_503 = arith.muli %add3A_499, %mul3A_502 : i32
      %add3A_504 = arith.addi %mul3A_501, %mul3A_503 : i32
      %add3A_505 = arith.constant 0 : i32
      %add3A_506 = arith.addi %add3A_504, %add3A_505 : i32
      %sub3A_507 = arith.constant 2047 : i32
      %sub3A_508 = arith.subi %sub3A_507, %add3A_506 : i32
      %rem3A_509 = arith.constant 8 : i32
      %rem3A_510 = arith.remsi %sub3A_508, %rem3A_509 : i32
      %sub3A_511 = arith.subi %sub3A_508, %rem3A_510 : i32
      %mul3A_512 = arith.constant 4096 : i32
      %mul3A_513 = arith.muli %rem3A_510, %mul3A_512 : i32
      %add3A_514 = arith.addi %mul3A_513, %sub3A_511 : i32
      %multiple_of3A_515 = tpu.assume_multiple %add3A_514, 8 : i32
      %mul3A_516 = arith.constant 2048 : i32
      %mul3A_517 = arith.muli %select_n3A, %mul3A_516 : i32
      %add3A_518 = arith.addi %mul3A_517, %add3A_506 : i32
      %mul3A_519 = arith.constant 2048 : i32
      %mul3A_520 = arith.muli %add3A_518, %mul3A_519 : i32
      %multiple_of3A_521 = tpu.assume_multiple %mul3A_520, 8 : i32
      %dma_start3A_522 = tpu.memref_slice %arg4[%multiple_of3A_515] : memref<32768xf32, #tpu.memory_space<vmem>> -> memref<2048xf32, #tpu.memory_space<vmem>>
      %dma_start3A_523 = tpu.memref_slice %arg3[%multiple_of3A_521] : memref<67108864xf32, #tpu.memory_space<hbm>> -> memref<2048xf32, #tpu.memory_space<hbm>>
      %dma_start3A_524 = tpu.memref_slice %arg3[%multiple_of3A_521] : memref<67108864xf32, #tpu.memory_space<hbm>> -> memref<2048xf32, #tpu.memory_space<hbm>>
      %dma_start3A_525 = tpu.memref_slice %arg4[%multiple_of3A_515] : memref<32768xf32, #tpu.memory_space<vmem>> -> memref<2048xf32, #tpu.memory_space<vmem>>
      tpu.enqueue_dma source(%dma_start3A_525 : memref<2048xf32, #tpu.memory_space<vmem>>) target(%dma_start3A_524 : memref<2048xf32, #tpu.memory_space<hbm>>) target_semaphore(%arg5 : memref<!tpu.dma_semaphore, #tpu.memory_space<semaphore_mem>>)
      %mul3A_526 = arith.constant 1024 : i32
      %mul3A_527 = arith.muli %select_n3A_30, %mul3A_526 : i32
      %mul3A_528 = arith.constant 8 : i32
      %mul3A_529 = arith.muli %add3A_499, %mul3A_528 : i32
      %add3A_530 = arith.addi %mul3A_527, %mul3A_529 : i32
      %add3A_531 = arith.constant 1 : i32
      %add3A_532 = arith.addi %add3A_530, %add3A_531 : i32
      %sub3A_533 = arith.constant 2047 : i32
      %sub3A_534 = arith.subi %sub3A_533, %add3A_532 : i32
      %rem3A_535 = arith.constant 8 : i32
      %rem3A_536 = arith.remsi %sub3A_534, %rem3A_535 : i32
      %sub3A_537 = arith.subi %sub3A_534, %rem3A_536 : i32
      %mul3A_538 = arith.constant 4096 : i32
      %mul3A_539 = arith.muli %rem3A_536, %mul3A_538 : i32
      %add3A_540 = arith.addi %mul3A_539, %sub3A_537 : i32
      %multiple_of3A_541 = tpu.assume_multiple %add3A_540, 8 : i32
      %mul3A_542 = arith.constant 2048 : i32
      %mul3A_543 = arith.muli %select_n3A, %mul3A_542 : i32
      %add3A_544 = arith.addi %mul3A_543, %add3A_532 : i32
      %mul3A_545 = arith.constant 2048 : i32
      %mul3A_546 = arith.muli %add3A_544, %mul3A_545 : i32
      %multiple_of3A_547 = tpu.assume_multiple %mul3A_546, 8 : i32
      %dma_start3A_548 = tpu.memref_slice %arg4[%multiple_of3A_541] : memref<32768xf32, #tpu.memory_space<vmem>> -> memref<2048xf32, #tpu.memory_space<vmem>>
      %dma_start3A_549 = tpu.memref_slice %arg3[%multiple_of3A_547] : memref<67108864xf32, #tpu.memory_space<hbm>> -> memref<2048xf32, #tpu.memory_space<hbm>>
      %dma_start3A_550 = tpu.memref_slice %arg3[%multiple_of3A_547] : memref<67108864xf32, #tpu.memory_space<hbm>> -> memref<2048xf32, #tpu.memory_space<hbm>>
      %dma_start3A_551 = tpu.memref_slice %arg4[%multiple_of3A_541] : memref<32768xf32, #tpu.memory_space<vmem>> -> memref<2048xf32, #tpu.memory_space<vmem>>
      tpu.enqueue_dma source(%dma_start3A_551 : memref<2048xf32, #tpu.memory_space<vmem>>) target(%dma_start3A_550 : memref<2048xf32, #tpu.memory_space<hbm>>) target_semaphore(%arg5 : memref<!tpu.dma_semaphore, #tpu.memory_space<semaphore_mem>>)
      %mul3A_552 = arith.constant 1024 : i32
      %mul3A_553 = arith.muli %select_n3A_30, %mul3A_552 : i32
      %mul3A_554 = arith.constant 8 : i32
      %mul3A_555 = arith.muli %add3A_499, %mul3A_554 : i32
      %add3A_556 = arith.addi %mul3A_553, %mul3A_555 : i32
      %add3A_557 = arith.constant 2 : i32
      %add3A_558 = arith.addi %add3A_556, %add3A_557 : i32
      %sub3A_559 = arith.constant 2047 : i32
      %sub3A_560 = arith.subi %sub3A_559, %add3A_558 : i32
      %rem3A_561 = arith.constant 8 : i32
      %rem3A_562 = arith.remsi %sub3A_560, %rem3A_561 : i32
      %sub3A_563 = arith.subi %sub3A_560, %rem3A_562 : i32
      %mul3A_564 = arith.constant 4096 : i32
      %mul3A_565 = arith.muli %rem3A_562, %mul3A_564 : i32
      %add3A_566 = arith.addi %mul3A_565, %sub3A_563 : i32
      %multiple_of3A_567 = tpu.assume_multiple %add3A_566, 8 : i32
      %mul3A_568 = arith.constant 2048 : i32
      %mul3A_569 = arith.muli %select_n3A, %mul3A_568 : i32
      %add3A_570 = arith.addi %mul3A_569, %add3A_558 : i32
      %mul3A_571 = arith.constant 2048 : i32
      %mul3A_572 = arith.muli %add3A_570, %mul3A_571 : i32
      %multiple_of3A_573 = tpu.assume_multiple %mul3A_572, 8 : i32
      %dma_start3A_574 = tpu.memref_slice %arg4[%multiple_of3A_567] : memref<32768xf32, #tpu.memory_space<vmem>> -> memref<2048xf32, #tpu.memory_space<vmem>>
      %dma_start3A_575 = tpu.memref_slice %arg3[%multiple_of3A_573] : memref<67108864xf32, #tpu.memory_space<hbm>> -> memref<2048xf32, #tpu.memory_space<hbm>>
      %dma_start3A_576 = tpu.memref_slice %arg3[%multiple_of3A_573] : memref<67108864xf32, #tpu.memory_space<hbm>> -> memref<2048xf32, #tpu.memory_space<hbm>>
      %dma_start3A_577 = tpu.memref_slice %arg4[%multiple_of3A_567] : memref<32768xf32, #tpu.memory_space<vmem>> -> memref<2048xf32, #tpu.memory_space<vmem>>
      tpu.enqueue_dma source(%dma_start3A_577 : memref<2048xf32, #tpu.memory_space<vmem>>) target(%dma_start3A_576 : memref<2048xf32, #tpu.memory_space<hbm>>) target_semaphore(%arg5 : memref<!tpu.dma_semaphore, #tpu.memory_space<semaphore_mem>>)
      %mul3A_578 = arith.constant 1024 : i32
      %mul3A_579 = arith.muli %select_n3A_30, %mul3A_578 : i32
      %mul3A_580 = arith.constant 8 : i32
      %mul3A_581 = arith.muli %add3A_499, %mul3A_580 : i32
      %add3A_582 = arith.addi %mul3A_579, %mul3A_581 : i32
      %add3A_583 = arith.constant 3 : i32
      %add3A_584 = arith.addi %add3A_582, %add3A_583 : i32
      %sub3A_585 = arith.constant 2047 : i32
      %sub3A_586 = arith.subi %sub3A_585, %add3A_584 : i32
      %rem3A_587 = arith.constant 8 : i32
      %rem3A_588 = arith.remsi %sub3A_586, %rem3A_587 : i32
      %sub3A_589 = arith.subi %sub3A_586, %rem3A_588 : i32
      %mul3A_590 = arith.constant 4096 : i32
      %mul3A_591 = arith.muli %rem3A_588, %mul3A_590 : i32
      %add3A_592 = arith.addi %mul3A_591, %sub3A_589 : i32
      %multiple_of3A_593 = tpu.assume_multiple %add3A_592, 8 : i32
      %mul3A_594 = arith.constant 2048 : i32
      %mul3A_595 = arith.muli %select_n3A, %mul3A_594 : i32
      %add3A_596 = arith.addi %mul3A_595, %add3A_584 : i32
      %mul3A_597 = arith.constant 2048 : i32
      %mul3A_598 = arith.muli %add3A_596, %mul3A_597 : i32
      %multiple_of3A_599 = tpu.assume_multiple %mul3A_598, 8 : i32
      %dma_start3A_600 = tpu.memref_slice %arg4[%multiple_of3A_593] : memref<32768xf32, #tpu.memory_space<vmem>> -> memref<2048xf32, #tpu.memory_space<vmem>>
      %dma_start3A_601 = tpu.memref_slice %arg3[%multiple_of3A_599] : memref<67108864xf32, #tpu.memory_space<hbm>> -> memref<2048xf32, #tpu.memory_space<hbm>>
      %dma_start3A_602 = tpu.memref_slice %arg3[%multiple_of3A_599] : memref<67108864xf32, #tpu.memory_space<hbm>> -> memref<2048xf32, #tpu.memory_space<hbm>>
      %dma_start3A_603 = tpu.memref_slice %arg4[%multiple_of3A_593] : memref<32768xf32, #tpu.memory_space<vmem>> -> memref<2048xf32, #tpu.memory_space<vmem>>
      tpu.enqueue_dma source(%dma_start3A_603 : memref<2048xf32, #tpu.memory_space<vmem>>) target(%dma_start3A_602 : memref<2048xf32, #tpu.memory_space<hbm>>) target_semaphore(%arg5 : memref<!tpu.dma_semaphore, #tpu.memory_space<semaphore_mem>>)
      %mul3A_604 = arith.constant 1024 : i32
      %mul3A_605 = arith.muli %select_n3A_30, %mul3A_604 : i32
      %mul3A_606 = arith.constant 8 : i32
      %mul3A_607 = arith.muli %add3A_499, %mul3A_606 : i32
      %add3A_608 = arith.addi %mul3A_605, %mul3A_607 : i32
      %add3A_609 = arith.constant 4 : i32
      %add3A_610 = arith.addi %add3A_608, %add3A_609 : i32
      %sub3A_611 = arith.constant 2047 : i32
      %sub3A_612 = arith.subi %sub3A_611, %add3A_610 : i32
      %rem3A_613 = arith.constant 8 : i32
      %rem3A_614 = arith.remsi %sub3A_612, %rem3A_613 : i32
      %sub3A_615 = arith.subi %sub3A_612, %rem3A_614 : i32
      %mul3A_616 = arith.constant 4096 : i32
      %mul3A_617 = arith.muli %rem3A_614, %mul3A_616 : i32
      %add3A_618 = arith.addi %mul3A_617, %sub3A_615 : i32
      %multiple_of3A_619 = tpu.assume_multiple %add3A_618, 8 : i32
      %mul3A_620 = arith.constant 2048 : i32
      %mul3A_621 = arith.muli %select_n3A, %mul3A_620 : i32
      %add3A_622 = arith.addi %mul3A_621, %add3A_610 : i32
      %mul3A_623 = arith.constant 2048 : i32
      %mul3A_624 = arith.muli %add3A_622, %mul3A_623 : i32
      %multiple_of3A_625 = tpu.assume_multiple %mul3A_624, 8 : i32
      %dma_start3A_626 = tpu.memref_slice %arg4[%multiple_of3A_619] : memref<32768xf32, #tpu.memory_space<vmem>> -> memref<2048xf32, #tpu.memory_space<vmem>>
      %dma_start3A_627 = tpu.memref_slice %arg3[%multiple_of3A_625] : memref<67108864xf32, #tpu.memory_space<hbm>> -> memref<2048xf32, #tpu.memory_space<hbm>>
      %dma_start3A_628 = tpu.memref_slice %arg3[%multiple_of3A_625] : memref<67108864xf32, #tpu.memory_space<hbm>> -> memref<2048xf32, #tpu.memory_space<hbm>>
      %dma_start3A_629 = tpu.memref_slice %arg4[%multiple_of3A_619] : memref<32768xf32, #tpu.memory_space<vmem>> -> memref<2048xf32, #tpu.memory_space<vmem>>
      tpu.enqueue_dma source(%dma_start3A_629 : memref<2048xf32, #tpu.memory_space<vmem>>) target(%dma_start3A_628 : memref<2048xf32, #tpu.memory_space<hbm>>) target_semaphore(%arg5 : memref<!tpu.dma_semaphore, #tpu.memory_space<semaphore_mem>>)
      %mul3A_630 = arith.constant 1024 : i32
      %mul3A_631 = arith.muli %select_n3A_30, %mul3A_630 : i32
      %mul3A_632 = arith.constant 8 : i32
      %mul3A_633 = arith.muli %add3A_499, %mul3A_632 : i32
      %add3A_634 = arith.addi %mul3A_631, %mul3A_633 : i32
      %add3A_635 = arith.constant 5 : i32
      %add3A_636 = arith.addi %add3A_634, %add3A_635 : i32
      %sub3A_637 = arith.constant 2047 : i32
      %sub3A_638 = arith.subi %sub3A_637, %add3A_636 : i32
      %rem3A_639 = arith.constant 8 : i32
      %rem3A_640 = arith.remsi %sub3A_638, %rem3A_639 : i32
      %sub3A_641 = arith.subi %sub3A_638, %rem3A_640 : i32
      %mul3A_642 = arith.constant 4096 : i32
      %mul3A_643 = arith.muli %rem3A_640, %mul3A_642 : i32
      %add3A_644 = arith.addi %mul3A_643, %sub3A_641 : i32
      %multiple_of3A_645 = tpu.assume_multiple %add3A_644, 8 : i32
      %mul3A_646 = arith.constant 2048 : i32
      %mul3A_647 = arith.muli %select_n3A, %mul3A_646 : i32
      %add3A_648 = arith.addi %mul3A_647, %add3A_636 : i32
      %mul3A_649 = arith.constant 2048 : i32
      %mul3A_650 = arith.muli %add3A_648, %mul3A_649 : i32
      %multiple_of3A_651 = tpu.assume_multiple %mul3A_650, 8 : i32
      %dma_start3A_652 = tpu.memref_slice %arg4[%multiple_of3A_645] : memref<32768xf32, #tpu.memory_space<vmem>> -> memref<2048xf32, #tpu.memory_space<vmem>>
      %dma_start3A_653 = tpu.memref_slice %arg3[%multiple_of3A_651] : memref<67108864xf32, #tpu.memory_space<hbm>> -> memref<2048xf32, #tpu.memory_space<hbm>>
      %dma_start3A_654 = tpu.memref_slice %arg3[%multiple_of3A_651] : memref<67108864xf32, #tpu.memory_space<hbm>> -> memref<2048xf32, #tpu.memory_space<hbm>>
      %dma_start3A_655 = tpu.memref_slice %arg4[%multiple_of3A_645] : memref<32768xf32, #tpu.memory_space<vmem>> -> memref<2048xf32, #tpu.memory_space<vmem>>
      tpu.enqueue_dma source(%dma_start3A_655 : memref<2048xf32, #tpu.memory_space<vmem>>) target(%dma_start3A_654 : memref<2048xf32, #tpu.memory_space<hbm>>) target_semaphore(%arg5 : memref<!tpu.dma_semaphore, #tpu.memory_space<semaphore_mem>>)
      %mul3A_656 = arith.constant 1024 : i32
      %mul3A_657 = arith.muli %select_n3A_30, %mul3A_656 : i32
      %mul3A_658 = arith.constant 8 : i32
      %mul3A_659 = arith.muli %add3A_499, %mul3A_658 : i32
      %add3A_660 = arith.addi %mul3A_657, %mul3A_659 : i32
      %add3A_661 = arith.constant 6 : i32
      %add3A_662 = arith.addi %add3A_660, %add3A_661 : i32
      %sub3A_663 = arith.constant 2047 : i32
      %sub3A_664 = arith.subi %sub3A_663, %add3A_662 : i32
      %rem3A_665 = arith.constant 8 : i32
      %rem3A_666 = arith.remsi %sub3A_664, %rem3A_665 : i32
      %sub3A_667 = arith.subi %sub3A_664, %rem3A_666 : i32
      %mul3A_668 = arith.constant 4096 : i32
      %mul3A_669 = arith.muli %rem3A_666, %mul3A_668 : i32
      %add3A_670 = arith.addi %mul3A_669, %sub3A_667 : i32
      %multiple_of3A_671 = tpu.assume_multiple %add3A_670, 8 : i32
      %mul3A_672 = arith.constant 2048 : i32
      %mul3A_673 = arith.muli %select_n3A, %mul3A_672 : i32
      %add3A_674 = arith.addi %mul3A_673, %add3A_662 : i32
      %mul3A_675 = arith.constant 2048 : i32
      %mul3A_676 = arith.muli %add3A_674, %mul3A_675 : i32
      %multiple_of3A_677 = tpu.assume_multiple %mul3A_676, 8 : i32
      %dma_start3A_678 = tpu.memref_slice %arg4[%multiple_of3A_671] : memref<32768xf32, #tpu.memory_space<vmem>> -> memref<2048xf32, #tpu.memory_space<vmem>>
      %dma_start3A_679 = tpu.memref_slice %arg3[%multiple_of3A_677] : memref<67108864xf32, #tpu.memory_space<hbm>> -> memref<2048xf32, #tpu.memory_space<hbm>>
      %dma_start3A_680 = tpu.memref_slice %arg3[%multiple_of3A_677] : memref<67108864xf32, #tpu.memory_space<hbm>> -> memref<2048xf32, #tpu.memory_space<hbm>>
      %dma_start3A_681 = tpu.memref_slice %arg4[%multiple_of3A_671] : memref<32768xf32, #tpu.memory_space<vmem>> -> memref<2048xf32, #tpu.memory_space<vmem>>
      tpu.enqueue_dma source(%dma_start3A_681 : memref<2048xf32, #tpu.memory_space<vmem>>) target(%dma_start3A_680 : memref<2048xf32, #tpu.memory_space<hbm>>) target_semaphore(%arg5 : memref<!tpu.dma_semaphore, #tpu.memory_space<semaphore_mem>>)
      %mul3A_682 = arith.constant 1024 : i32
      %mul3A_683 = arith.muli %select_n3A_30, %mul3A_682 : i32
      %mul3A_684 = arith.constant 8 : i32
      %mul3A_685 = arith.muli %add3A_499, %mul3A_684 : i32
      %add3A_686 = arith.addi %mul3A_683, %mul3A_685 : i32
      %add3A_687 = arith.constant 7 : i32
      %add3A_688 = arith.addi %add3A_686, %add3A_687 : i32
      %sub3A_689 = arith.constant 2047 : i32
      %sub3A_690 = arith.subi %sub3A_689, %add3A_688 : i32
      %rem3A_691 = arith.constant 8 : i32
      %rem3A_692 = arith.remsi %sub3A_690, %rem3A_691 : i32
      %sub3A_693 = arith.subi %sub3A_690, %rem3A_692 : i32
      %mul3A_694 = arith.constant 4096 : i32
      %mul3A_695 = arith.muli %rem3A_692, %mul3A_694 : i32
      %add3A_696 = arith.addi %mul3A_695, %sub3A_693 : i32
      %multiple_of3A_697 = tpu.assume_multiple %add3A_696, 8 : i32
      %mul3A_698 = arith.constant 2048 : i32
      %mul3A_699 = arith.muli %select_n3A, %mul3A_698 : i32
      %add3A_700 = arith.addi %mul3A_699, %add3A_688 : i32
      %mul3A_701 = arith.constant 2048 : i32
      %mul3A_702 = arith.muli %add3A_700, %mul3A_701 : i32
      %multiple_of3A_703 = tpu.assume_multiple %mul3A_702, 8 : i32
      %dma_start3A_704 = tpu.memref_slice %arg4[%multiple_of3A_697] : memref<32768xf32, #tpu.memory_space<vmem>> -> memref<2048xf32, #tpu.memory_space<vmem>>
      %dma_start3A_705 = tpu.memref_slice %arg3[%multiple_of3A_703] : memref<67108864xf32, #tpu.memory_space<hbm>> -> memref<2048xf32, #tpu.memory_space<hbm>>
      %dma_start3A_706 = tpu.memref_slice %arg3[%multiple_of3A_703] : memref<67108864xf32, #tpu.memory_space<hbm>> -> memref<2048xf32, #tpu.memory_space<hbm>>
      %dma_start3A_707 = tpu.memref_slice %arg4[%multiple_of3A_697] : memref<32768xf32, #tpu.memory_space<vmem>> -> memref<2048xf32, #tpu.memory_space<vmem>>
      tpu.enqueue_dma source(%dma_start3A_707 : memref<2048xf32, #tpu.memory_space<vmem>>) target(%dma_start3A_706 : memref<2048xf32, #tpu.memory_space<hbm>>) target_semaphore(%arg5 : memref<!tpu.dma_semaphore, #tpu.memory_space<semaphore_mem>>)
      %dma_wait3A_708 = tpu.memref_slice %arg4[%multiple_of3A_515] : memref<32768xf32, #tpu.memory_space<vmem>> -> memref<2048xf32, #tpu.memory_space<vmem>>
      %dma_wait3A_709 = tpu.memref_slice %arg3[%multiple_of3A_521] : memref<67108864xf32, #tpu.memory_space<hbm>> -> memref<2048xf32, #tpu.memory_space<hbm>>
      %dma_wait3A_710 = tpu.memref_slice %arg3[%multiple_of3A_521] : memref<67108864xf32, #tpu.memory_space<hbm>> -> memref<2048xf32, #tpu.memory_space<hbm>>
      %dma_wait3A_711 = tpu.memref_slice %arg4[%multiple_of3A_515] : memref<32768xf32, #tpu.memory_space<vmem>> -> memref<2048xf32, #tpu.memory_space<vmem>>
      tpu.wait_dma2 semaphore(%arg5 : memref<!tpu.dma_semaphore, #tpu.memory_space<semaphore_mem>>) src(%dma_wait3A_711 : memref<2048xf32, #tpu.memory_space<vmem>>) dst(%dma_wait3A_710 : memref<2048xf32, #tpu.memory_space<hbm>>)
      %dma_wait3A_712 = tpu.memref_slice %arg4[%multiple_of3A_541] : memref<32768xf32, #tpu.memory_space<vmem>> -> memref<2048xf32, #tpu.memory_space<vmem>>
      %dma_wait3A_713 = tpu.memref_slice %arg3[%multiple_of3A_547] : memref<67108864xf32, #tpu.memory_space<hbm>> -> memref<2048xf32, #tpu.memory_space<hbm>>
      %dma_wait3A_714 = tpu.memref_slice %arg3[%multiple_of3A_547] : memref<67108864xf32, #tpu.memory_space<hbm>> -> memref<2048xf32, #tpu.memory_space<hbm>>
      %dma_wait3A_715 = tpu.memref_slice %arg4[%multiple_of3A_541] : memref<32768xf32, #tpu.memory_space<vmem>> -> memref<2048xf32, #tpu.memory_space<vmem>>
      tpu.wait_dma2 semaphore(%arg5 : memref<!tpu.dma_semaphore, #tpu.memory_space<semaphore_mem>>) src(%dma_wait3A_715 : memref<2048xf32, #tpu.memory_space<vmem>>) dst(%dma_wait3A_714 : memref<2048xf32, #tpu.memory_space<hbm>>)
      %dma_wait3A_716 = tpu.memref_slice %arg4[%multiple_of3A_567] : memref<32768xf32, #tpu.memory_space<vmem>> -> memref<2048xf32, #tpu.memory_space<vmem>>
      %dma_wait3A_717 = tpu.memref_slice %arg3[%multiple_of3A_573] : memref<67108864xf32, #tpu.memory_space<hbm>> -> memref<2048xf32, #tpu.memory_space<hbm>>
      %dma_wait3A_718 = tpu.memref_slice %arg3[%multiple_of3A_573] : memref<67108864xf32, #tpu.memory_space<hbm>> -> memref<2048xf32, #tpu.memory_space<hbm>>
      %dma_wait3A_719 = tpu.memref_slice %arg4[%multiple_of3A_567] : memref<32768xf32, #tpu.memory_space<vmem>> -> memref<2048xf32, #tpu.memory_space<vmem>>
      tpu.wait_dma2 semaphore(%arg5 : memref<!tpu.dma_semaphore, #tpu.memory_space<semaphore_mem>>) src(%dma_wait3A_719 : memref<2048xf32, #tpu.memory_space<vmem>>) dst(%dma_wait3A_718 : memref<2048xf32, #tpu.memory_space<hbm>>)
      %dma_wait3A_720 = tpu.memref_slice %arg4[%multiple_of3A_593] : memref<32768xf32, #tpu.memory_space<vmem>> -> memref<2048xf32, #tpu.memory_space<vmem>>
      %dma_wait3A_721 = tpu.memref_slice %arg3[%multiple_of3A_599] : memref<67108864xf32, #tpu.memory_space<hbm>> -> memref<2048xf32, #tpu.memory_space<hbm>>
      %dma_wait3A_722 = tpu.memref_slice %arg3[%multiple_of3A_599] : memref<67108864xf32, #tpu.memory_space<hbm>> -> memref<2048xf32, #tpu.memory_space<hbm>>
      %dma_wait3A_723 = tpu.memref_slice %arg4[%multiple_of3A_593] : memref<32768xf32, #tpu.memory_space<vmem>> -> memref<2048xf32, #tpu.memory_space<vmem>>
      tpu.wait_dma2 semaphore(%arg5 : memref<!tpu.dma_semaphore, #tpu.memory_space<semaphore_mem>>) src(%dma_wait3A_723 : memref<2048xf32, #tpu.memory_space<vmem>>) dst(%dma_wait3A_722 : memref<2048xf32, #tpu.memory_space<hbm>>)
      %dma_wait3A_724 = tpu.memref_slice %arg4[%multiple_of3A_619] : memref<32768xf32, #tpu.memory_space<vmem>> -> memref<2048xf32, #tpu.memory_space<vmem>>
      %dma_wait3A_725 = tpu.memref_slice %arg3[%multiple_of3A_625] : memref<67108864xf32, #tpu.memory_space<hbm>> -> memref<2048xf32, #tpu.memory_space<hbm>>
      %dma_wait3A_726 = tpu.memref_slice %arg3[%multiple_of3A_625] : memref<67108864xf32, #tpu.memory_space<hbm>> -> memref<2048xf32, #tpu.memory_space<hbm>>
      %dma_wait3A_727 = tpu.memref_slice %arg4[%multiple_of3A_619] : memref<32768xf32, #tpu.memory_space<vmem>> -> memref<2048xf32, #tpu.memory_space<vmem>>
      tpu.wait_dma2 semaphore(%arg5 : memref<!tpu.dma_semaphore, #tpu.memory_space<semaphore_mem>>) src(%dma_wait3A_727 : memref<2048xf32, #tpu.memory_space<vmem>>) dst(%dma_wait3A_726 : memref<2048xf32, #tpu.memory_space<hbm>>)
      %dma_wait3A_728 = tpu.memref_slice %arg4[%multiple_of3A_645] : memref<32768xf32, #tpu.memory_space<vmem>> -> memref<2048xf32, #tpu.memory_space<vmem>>
      %dma_wait3A_729 = tpu.memref_slice %arg3[%multiple_of3A_651] : memref<67108864xf32, #tpu.memory_space<hbm>> -> memref<2048xf32, #tpu.memory_space<hbm>>
      %dma_wait3A_730 = tpu.memref_slice %arg3[%multiple_of3A_651] : memref<67108864xf32, #tpu.memory_space<hbm>> -> memref<2048xf32, #tpu.memory_space<hbm>>
      %dma_wait3A_731 = tpu.memref_slice %arg4[%multiple_of3A_645] : memref<32768xf32, #tpu.memory_space<vmem>> -> memref<2048xf32, #tpu.memory_space<vmem>>
      tpu.wait_dma2 semaphore(%arg5 : memref<!tpu.dma_semaphore, #tpu.memory_space<semaphore_mem>>) src(%dma_wait3A_731 : memref<2048xf32, #tpu.memory_space<vmem>>) dst(%dma_wait3A_730 : memref<2048xf32, #tpu.memory_space<hbm>>)
      %dma_wait3A_732 = tpu.memref_slice %arg4[%multiple_of3A_671] : memref<32768xf32, #tpu.memory_space<vmem>> -> memref<2048xf32, #tpu.memory_space<vmem>>
      %dma_wait3A_733 = tpu.memref_slice %arg3[%multiple_of3A_677] : memref<67108864xf32, #tpu.memory_space<hbm>> -> memref<2048xf32, #tpu.memory_space<hbm>>
      %dma_wait3A_734 = tpu.memref_slice %arg3[%multiple_of3A_677] : memref<67108864xf32, #tpu.memory_space<hbm>> -> memref<2048xf32, #tpu.memory_space<hbm>>
      %dma_wait3A_735 = tpu.memref_slice %arg4[%multiple_of3A_671] : memref<32768xf32, #tpu.memory_space<vmem>> -> memref<2048xf32, #tpu.memory_space<vmem>>
      tpu.wait_dma2 semaphore(%arg5 : memref<!tpu.dma_semaphore, #tpu.memory_space<semaphore_mem>>) src(%dma_wait3A_735 : memref<2048xf32, #tpu.memory_space<vmem>>) dst(%dma_wait3A_734 : memref<2048xf32, #tpu.memory_space<hbm>>)
      %dma_wait3A_736 = tpu.memref_slice %arg4[%multiple_of3A_697] : memref<32768xf32, #tpu.memory_space<vmem>> -> memref<2048xf32, #tpu.memory_space<vmem>>
      %dma_wait3A_737 = tpu.memref_slice %arg3[%multiple_of3A_703] : memref<67108864xf32, #tpu.memory_space<hbm>> -> memref<2048xf32, #tpu.memory_space<hbm>>
      %dma_wait3A_738 = tpu.memref_slice %arg3[%multiple_of3A_703] : memref<67108864xf32, #tpu.memory_space<hbm>> -> memref<2048xf32, #tpu.memory_space<hbm>>
      %dma_wait3A_739 = tpu.memref_slice %arg4[%multiple_of3A_697] : memref<32768xf32, #tpu.memory_space<vmem>> -> memref<2048xf32, #tpu.memory_space<vmem>>
      tpu.wait_dma2 semaphore(%arg5 : memref<!tpu.dma_semaphore, #tpu.memory_space<semaphore_mem>>) src(%dma_wait3A_739 : memref<2048xf32, #tpu.memory_space<vmem>>) dst(%dma_wait3A_738 : memref<2048xf32, #tpu.memory_space<hbm>>)
    }
    %scan3A_233 = arith.constant 127 : i32
    %mul3A_234 = arith.constant 1024 : i32
    %mul3A_235 = arith.muli %select_n3A_30, %mul3A_234 : i32
    %add3A_236 = arith.constant 0 : i32
    %add3A_237 = arith.addi %mul3A_235, %add3A_236 : i32
    %add3A_238 = arith.constant 0 : i32
    %add3A_239 = arith.addi %add3A_237, %add3A_238 : i32
    %sub3A_240 = arith.constant 2047 : i32
    %sub3A_241 = arith.subi %sub3A_240, %add3A_239 : i32
    %rem3A_242 = arith.constant 8 : i32
    %rem3A_243 = arith.remsi %sub3A_241, %rem3A_242 : i32
    %sub3A_244 = arith.subi %sub3A_241, %rem3A_243 : i32
    %mul3A_245 = arith.constant 4096 : i32
    %mul3A_246 = arith.muli %rem3A_243, %mul3A_245 : i32
    %add3A_247 = arith.addi %mul3A_246, %sub3A_244 : i32
    %multiple_of3A_248 = tpu.assume_multiple %add3A_247, 8 : i32
    %mul3A_249 = arith.constant 2048 : i32
    %mul3A_250 = arith.muli %select_n3A, %mul3A_249 : i32
    %add3A_251 = arith.addi %mul3A_250, %add3A_239 : i32
    %mul3A_252 = arith.constant 2048 : i32
    %mul3A_253 = arith.muli %add3A_251, %mul3A_252 : i32
    %multiple_of3A_254 = tpu.assume_multiple %mul3A_253, 8 : i32
    %dma_start3A_255 = tpu.memref_slice %arg4[%multiple_of3A_248] : memref<32768xf32, #tpu.memory_space<vmem>> -> memref<2048xf32, #tpu.memory_space<vmem>>
    %dma_start3A_256 = tpu.memref_slice %arg3[%multiple_of3A_254] : memref<67108864xf32, #tpu.memory_space<hbm>> -> memref<2048xf32, #tpu.memory_space<hbm>>
    %dma_start3A_257 = tpu.memref_slice %arg3[%multiple_of3A_254] : memref<67108864xf32, #tpu.memory_space<hbm>> -> memref<2048xf32, #tpu.memory_space<hbm>>
    %dma_start3A_258 = tpu.memref_slice %arg4[%multiple_of3A_248] : memref<32768xf32, #tpu.memory_space<vmem>> -> memref<2048xf32, #tpu.memory_space<vmem>>
    tpu.enqueue_dma source(%dma_start3A_258 : memref<2048xf32, #tpu.memory_space<vmem>>) target(%dma_start3A_257 : memref<2048xf32, #tpu.memory_space<hbm>>) target_semaphore(%arg5 : memref<!tpu.dma_semaphore, #tpu.memory_space<semaphore_mem>>)
    %mul3A_259 = arith.constant 1024 : i32
    %mul3A_260 = arith.muli %select_n3A_30, %mul3A_259 : i32
    %add3A_261 = arith.constant 0 : i32
    %add3A_262 = arith.addi %mul3A_260, %add3A_261 : i32
    %add3A_263 = arith.constant 1 : i32
    %add3A_264 = arith.addi %add3A_262, %add3A_263 : i32
    %sub3A_265 = arith.constant 2047 : i32
    %sub3A_266 = arith.subi %sub3A_265, %add3A_264 : i32
    %rem3A_267 = arith.constant 8 : i32
    %rem3A_268 = arith.remsi %sub3A_266, %rem3A_267 : i32
    %sub3A_269 = arith.subi %sub3A_266, %rem3A_268 : i32
    %mul3A_270 = arith.constant 4096 : i32
    %mul3A_271 = arith.muli %rem3A_268, %mul3A_270 : i32
    %add3A_272 = arith.addi %mul3A_271, %sub3A_269 : i32
    %multiple_of3A_273 = tpu.assume_multiple %add3A_272, 8 : i32
    %mul3A_274 = arith.constant 2048 : i32
    %mul3A_275 = arith.muli %select_n3A, %mul3A_274 : i32
    %add3A_276 = arith.addi %mul3A_275, %add3A_264 : i32
    %mul3A_277 = arith.constant 2048 : i32
    %mul3A_278 = arith.muli %add3A_276, %mul3A_277 : i32
    %multiple_of3A_279 = tpu.assume_multiple %mul3A_278, 8 : i32
    %dma_start3A_280 = tpu.memref_slice %arg4[%multiple_of3A_273] : memref<32768xf32, #tpu.memory_space<vmem>> -> memref<2048xf32, #tpu.memory_space<vmem>>
    %dma_start3A_281 = tpu.memref_slice %arg3[%multiple_of3A_279] : memref<67108864xf32, #tpu.memory_space<hbm>> -> memref<2048xf32, #tpu.memory_space<hbm>>
    %dma_start3A_282 = tpu.memref_slice %arg3[%multiple_of3A_279] : memref<67108864xf32, #tpu.memory_space<hbm>> -> memref<2048xf32, #tpu.memory_space<hbm>>
    %dma_start3A_283 = tpu.memref_slice %arg4[%multiple_of3A_273] : memref<32768xf32, #tpu.memory_space<vmem>> -> memref<2048xf32, #tpu.memory_space<vmem>>
    tpu.enqueue_dma source(%dma_start3A_283 : memref<2048xf32, #tpu.memory_space<vmem>>) target(%dma_start3A_282 : memref<2048xf32, #tpu.memory_space<hbm>>) target_semaphore(%arg5 : memref<!tpu.dma_semaphore, #tpu.memory_space<semaphore_mem>>)
    %mul3A_284 = arith.constant 1024 : i32
    %mul3A_285 = arith.muli %select_n3A_30, %mul3A_284 : i32
    %add3A_286 = arith.constant 0 : i32
    %add3A_287 = arith.addi %mul3A_285, %add3A_286 : i32
    %add3A_288 = arith.constant 2 : i32
    %add3A_289 = arith.addi %add3A_287, %add3A_288 : i32
    %sub3A_290 = arith.constant 2047 : i32
    %sub3A_291 = arith.subi %sub3A_290, %add3A_289 : i32
    %rem3A_292 = arith.constant 8 : i32
    %rem3A_293 = arith.remsi %sub3A_291, %rem3A_292 : i32
    %sub3A_294 = arith.subi %sub3A_291, %rem3A_293 : i32
    %mul3A_295 = arith.constant 4096 : i32
    %mul3A_296 = arith.muli %rem3A_293, %mul3A_295 : i32
    %add3A_297 = arith.addi %mul3A_296, %sub3A_294 : i32
    %multiple_of3A_298 = tpu.assume_multiple %add3A_297, 8 : i32
    %mul3A_299 = arith.constant 2048 : i32
    %mul3A_300 = arith.muli %select_n3A, %mul3A_299 : i32
    %add3A_301 = arith.addi %mul3A_300, %add3A_289 : i32
    %mul3A_302 = arith.constant 2048 : i32
    %mul3A_303 = arith.muli %add3A_301, %mul3A_302 : i32
    %multiple_of3A_304 = tpu.assume_multiple %mul3A_303, 8 : i32
    %dma_start3A_305 = tpu.memref_slice %arg4[%multiple_of3A_298] : memref<32768xf32, #tpu.memory_space<vmem>> -> memref<2048xf32, #tpu.memory_space<vmem>>
    %dma_start3A_306 = tpu.memref_slice %arg3[%multiple_of3A_304] : memref<67108864xf32, #tpu.memory_space<hbm>> -> memref<2048xf32, #tpu.memory_space<hbm>>
    %dma_start3A_307 = tpu.memref_slice %arg3[%multiple_of3A_304] : memref<67108864xf32, #tpu.memory_space<hbm>> -> memref<2048xf32, #tpu.memory_space<hbm>>
    %dma_start3A_308 = tpu.memref_slice %arg4[%multiple_of3A_298] : memref<32768xf32, #tpu.memory_space<vmem>> -> memref<2048xf32, #tpu.memory_space<vmem>>
    tpu.enqueue_dma source(%dma_start3A_308 : memref<2048xf32, #tpu.memory_space<vmem>>) target(%dma_start3A_307 : memref<2048xf32, #tpu.memory_space<hbm>>) target_semaphore(%arg5 : memref<!tpu.dma_semaphore, #tpu.memory_space<semaphore_mem>>)
    %mul3A_309 = arith.constant 1024 : i32
    %mul3A_310 = arith.muli %select_n3A_30, %mul3A_309 : i32
    %add3A_311 = arith.constant 0 : i32
    %add3A_312 = arith.addi %mul3A_310, %add3A_311 : i32
    %add3A_313 = arith.constant 3 : i32
    %add3A_314 = arith.addi %add3A_312, %add3A_313 : i32
    %sub3A_315 = arith.constant 2047 : i32
    %sub3A_316 = arith.subi %sub3A_315, %add3A_314 : i32
    %rem3A_317 = arith.constant 8 : i32
    %rem3A_318 = arith.remsi %sub3A_316, %rem3A_317 : i32
    %sub3A_319 = arith.subi %sub3A_316, %rem3A_318 : i32
    %mul3A_320 = arith.constant 4096 : i32
    %mul3A_321 = arith.muli %rem3A_318, %mul3A_320 : i32
    %add3A_322 = arith.addi %mul3A_321, %sub3A_319 : i32
    %multiple_of3A_323 = tpu.assume_multiple %add3A_322, 8 : i32
    %mul3A_324 = arith.constant 2048 : i32
    %mul3A_325 = arith.muli %select_n3A, %mul3A_324 : i32
    %add3A_326 = arith.addi %mul3A_325, %add3A_314 : i32
    %mul3A_327 = arith.constant 2048 : i32
    %mul3A_328 = arith.muli %add3A_326, %mul3A_327 : i32
    %multiple_of3A_329 = tpu.assume_multiple %mul3A_328, 8 : i32
    %dma_start3A_330 = tpu.memref_slice %arg4[%multiple_of3A_323] : memref<32768xf32, #tpu.memory_space<vmem>> -> memref<2048xf32, #tpu.memory_space<vmem>>
    %dma_start3A_331 = tpu.memref_slice %arg3[%multiple_of3A_329] : memref<67108864xf32, #tpu.memory_space<hbm>> -> memref<2048xf32, #tpu.memory_space<hbm>>
    %dma_start3A_332 = tpu.memref_slice %arg3[%multiple_of3A_329] : memref<67108864xf32, #tpu.memory_space<hbm>> -> memref<2048xf32, #tpu.memory_space<hbm>>
    %dma_start3A_333 = tpu.memref_slice %arg4[%multiple_of3A_323] : memref<32768xf32, #tpu.memory_space<vmem>> -> memref<2048xf32, #tpu.memory_space<vmem>>
    tpu.enqueue_dma source(%dma_start3A_333 : memref<2048xf32, #tpu.memory_space<vmem>>) target(%dma_start3A_332 : memref<2048xf32, #tpu.memory_space<hbm>>) target_semaphore(%arg5 : memref<!tpu.dma_semaphore, #tpu.memory_space<semaphore_mem>>)
    %mul3A_334 = arith.constant 1024 : i32
    %mul3A_335 = arith.muli %select_n3A_30, %mul3A_334 : i32
    %add3A_336 = arith.constant 0 : i32
    %add3A_337 = arith.addi %mul3A_335, %add3A_336 : i32
    %add3A_338 = arith.constant 4 : i32
    %add3A_339 = arith.addi %add3A_337, %add3A_338 : i32
    %sub3A_340 = arith.constant 2047 : i32
    %sub3A_341 = arith.subi %sub3A_340, %add3A_339 : i32
    %rem3A_342 = arith.constant 8 : i32
    %rem3A_343 = arith.remsi %sub3A_341, %rem3A_342 : i32
    %sub3A_344 = arith.subi %sub3A_341, %rem3A_343 : i32
    %mul3A_345 = arith.constant 4096 : i32
    %mul3A_346 = arith.muli %rem3A_343, %mul3A_345 : i32
    %add3A_347 = arith.addi %mul3A_346, %sub3A_344 : i32
    %multiple_of3A_348 = tpu.assume_multiple %add3A_347, 8 : i32
    %mul3A_349 = arith.constant 2048 : i32
    %mul3A_350 = arith.muli %select_n3A, %mul3A_349 : i32
    %add3A_351 = arith.addi %mul3A_350, %add3A_339 : i32
    %mul3A_352 = arith.constant 2048 : i32
    %mul3A_353 = arith.muli %add3A_351, %mul3A_352 : i32
    %multiple_of3A_354 = tpu.assume_multiple %mul3A_353, 8 : i32
    %dma_start3A_355 = tpu.memref_slice %arg4[%multiple_of3A_348] : memref<32768xf32, #tpu.memory_space<vmem>> -> memref<2048xf32, #tpu.memory_space<vmem>>
    %dma_start3A_356 = tpu.memref_slice %arg3[%multiple_of3A_354] : memref<67108864xf32, #tpu.memory_space<hbm>> -> memref<2048xf32, #tpu.memory_space<hbm>>
    %dma_start3A_357 = tpu.memref_slice %arg3[%multiple_of3A_354] : memref<67108864xf32, #tpu.memory_space<hbm>> -> memref<2048xf32, #tpu.memory_space<hbm>>
    %dma_start3A_358 = tpu.memref_slice %arg4[%multiple_of3A_348] : memref<32768xf32, #tpu.memory_space<vmem>> -> memref<2048xf32, #tpu.memory_space<vmem>>
    tpu.enqueue_dma source(%dma_start3A_358 : memref<2048xf32, #tpu.memory_space<vmem>>) target(%dma_start3A_357 : memref<2048xf32, #tpu.memory_space<hbm>>) target_semaphore(%arg5 : memref<!tpu.dma_semaphore, #tpu.memory_space<semaphore_mem>>)
    %mul3A_359 = arith.constant 1024 : i32
    %mul3A_360 = arith.muli %select_n3A_30, %mul3A_359 : i32
    %add3A_361 = arith.constant 0 : i32
    %add3A_362 = arith.addi %mul3A_360, %add3A_361 : i32
    %add3A_363 = arith.constant 5 : i32
    %add3A_364 = arith.addi %add3A_362, %add3A_363 : i32
    %sub3A_365 = arith.constant 2047 : i32
    %sub3A_366 = arith.subi %sub3A_365, %add3A_364 : i32
    %rem3A_367 = arith.constant 8 : i32
    %rem3A_368 = arith.remsi %sub3A_366, %rem3A_367 : i32
    %sub3A_369 = arith.subi %sub3A_366, %rem3A_368 : i32
    %mul3A_370 = arith.constant 4096 : i32
    %mul3A_371 = arith.muli %rem3A_368, %mul3A_370 : i32
    %add3A_372 = arith.addi %mul3A_371, %sub3A_369 : i32
    %multiple_of3A_373 = tpu.assume_multiple %add3A_372, 8 : i32
    %mul3A_374 = arith.constant 2048 : i32
    %mul3A_375 = arith.muli %select_n3A, %mul3A_374 : i32
    %add3A_376 = arith.addi %mul3A_375, %add3A_364 : i32
    %mul3A_377 = arith.constant 2048 : i32
    %mul3A_378 = arith.muli %add3A_376, %mul3A_377 : i32
    %multiple_of3A_379 = tpu.assume_multiple %mul3A_378, 8 : i32
    %dma_start3A_380 = tpu.memref_slice %arg4[%multiple_of3A_373] : memref<32768xf32, #tpu.memory_space<vmem>> -> memref<2048xf32, #tpu.memory_space<vmem>>
    %dma_start3A_381 = tpu.memref_slice %arg3[%multiple_of3A_379] : memref<67108864xf32, #tpu.memory_space<hbm>> -> memref<2048xf32, #tpu.memory_space<hbm>>
    %dma_start3A_382 = tpu.memref_slice %arg3[%multiple_of3A_379] : memref<67108864xf32, #tpu.memory_space<hbm>> -> memref<2048xf32, #tpu.memory_space<hbm>>
    %dma_start3A_383 = tpu.memref_slice %arg4[%multiple_of3A_373] : memref<32768xf32, #tpu.memory_space<vmem>> -> memref<2048xf32, #tpu.memory_space<vmem>>
    tpu.enqueue_dma source(%dma_start3A_383 : memref<2048xf32, #tpu.memory_space<vmem>>) target(%dma_start3A_382 : memref<2048xf32, #tpu.memory_space<hbm>>) target_semaphore(%arg5 : memref<!tpu.dma_semaphore, #tpu.memory_space<semaphore_mem>>)
    %mul3A_384 = arith.constant 1024 : i32
    %mul3A_385 = arith.muli %select_n3A_30, %mul3A_384 : i32
    %add3A_386 = arith.constant 0 : i32
    %add3A_387 = arith.addi %mul3A_385, %add3A_386 : i32
    %add3A_388 = arith.constant 6 : i32
    %add3A_389 = arith.addi %add3A_387, %add3A_388 : i32
    %sub3A_390 = arith.constant 2047 : i32
    %sub3A_391 = arith.subi %sub3A_390, %add3A_389 : i32
    %rem3A_392 = arith.constant 8 : i32
    %rem3A_393 = arith.remsi %sub3A_391, %rem3A_392 : i32
    %sub3A_394 = arith.subi %sub3A_391, %rem3A_393 : i32
    %mul3A_395 = arith.constant 4096 : i32
    %mul3A_396 = arith.muli %rem3A_393, %mul3A_395 : i32
    %add3A_397 = arith.addi %mul3A_396, %sub3A_394 : i32
    %multiple_of3A_398 = tpu.assume_multiple %add3A_397, 8 : i32
    %mul3A_399 = arith.constant 2048 : i32
    %mul3A_400 = arith.muli %select_n3A, %mul3A_399 : i32
    %add3A_401 = arith.addi %mul3A_400, %add3A_389 : i32
    %mul3A_402 = arith.constant 2048 : i32
    %mul3A_403 = arith.muli %add3A_401, %mul3A_402 : i32
    %multiple_of3A_404 = tpu.assume_multiple %mul3A_403, 8 : i32
    %dma_start3A_405 = tpu.memref_slice %arg4[%multiple_of3A_398] : memref<32768xf32, #tpu.memory_space<vmem>> -> memref<2048xf32, #tpu.memory_space<vmem>>
    %dma_start3A_406 = tpu.memref_slice %arg3[%multiple_of3A_404] : memref<67108864xf32, #tpu.memory_space<hbm>> -> memref<2048xf32, #tpu.memory_space<hbm>>
    %dma_start3A_407 = tpu.memref_slice %arg3[%multiple_of3A_404] : memref<67108864xf32, #tpu.memory_space<hbm>> -> memref<2048xf32, #tpu.memory_space<hbm>>
    %dma_start3A_408 = tpu.memref_slice %arg4[%multiple_of3A_398] : memref<32768xf32, #tpu.memory_space<vmem>> -> memref<2048xf32, #tpu.memory_space<vmem>>
    tpu.enqueue_dma source(%dma_start3A_408 : memref<2048xf32, #tpu.memory_space<vmem>>) target(%dma_start3A_407 : memref<2048xf32, #tpu.memory_space<hbm>>) target_semaphore(%arg5 : memref<!tpu.dma_semaphore, #tpu.memory_space<semaphore_mem>>)
    %mul3A_409 = arith.constant 1024 : i32
    %mul3A_410 = arith.muli %select_n3A_30, %mul3A_409 : i32
    %add3A_411 = arith.constant 0 : i32
    %add3A_412 = arith.addi %mul3A_410, %add3A_411 : i32
    %add3A_413 = arith.constant 7 : i32
    %add3A_414 = arith.addi %add3A_412, %add3A_413 : i32
    %sub3A_415 = arith.constant 2047 : i32
    %sub3A_416 = arith.subi %sub3A_415, %add3A_414 : i32
    %rem3A_417 = arith.constant 8 : i32
    %rem3A_418 = arith.remsi %sub3A_416, %rem3A_417 : i32
    %sub3A_419 = arith.subi %sub3A_416, %rem3A_418 : i32
    %mul3A_420 = arith.constant 4096 : i32
    %mul3A_421 = arith.muli %rem3A_418, %mul3A_420 : i32
    %add3A_422 = arith.addi %mul3A_421, %sub3A_419 : i32
    %multiple_of3A_423 = tpu.assume_multiple %add3A_422, 8 : i32
    %mul3A_424 = arith.constant 2048 : i32
    %mul3A_425 = arith.muli %select_n3A, %mul3A_424 : i32
    %add3A_426 = arith.addi %mul3A_425, %add3A_414 : i32
    %mul3A_427 = arith.constant 2048 : i32
    %mul3A_428 = arith.muli %add3A_426, %mul3A_427 : i32
    %multiple_of3A_429 = tpu.assume_multiple %mul3A_428, 8 : i32
    %dma_start3A_430 = tpu.memref_slice %arg4[%multiple_of3A_423] : memref<32768xf32, #tpu.memory_space<vmem>> -> memref<2048xf32, #tpu.memory_space<vmem>>
    %dma_start3A_431 = tpu.memref_slice %arg3[%multiple_of3A_429] : memref<67108864xf32, #tpu.memory_space<hbm>> -> memref<2048xf32, #tpu.memory_space<hbm>>
    %dma_start3A_432 = tpu.memref_slice %arg3[%multiple_of3A_429] : memref<67108864xf32, #tpu.memory_space<hbm>> -> memref<2048xf32, #tpu.memory_space<hbm>>
    %dma_start3A_433 = tpu.memref_slice %arg4[%multiple_of3A_423] : memref<32768xf32, #tpu.memory_space<vmem>> -> memref<2048xf32, #tpu.memory_space<vmem>>
    tpu.enqueue_dma source(%dma_start3A_433 : memref<2048xf32, #tpu.memory_space<vmem>>) target(%dma_start3A_432 : memref<2048xf32, #tpu.memory_space<hbm>>) target_semaphore(%arg5 : memref<!tpu.dma_semaphore, #tpu.memory_space<semaphore_mem>>)
    %dma_wait3A = tpu.memref_slice %arg4[%multiple_of3A_248] : memref<32768xf32, #tpu.memory_space<vmem>> -> memref<2048xf32, #tpu.memory_space<vmem>>
    %dma_wait3A_434 = tpu.memref_slice %arg3[%multiple_of3A_254] : memref<67108864xf32, #tpu.memory_space<hbm>> -> memref<2048xf32, #tpu.memory_space<hbm>>
    %dma_wait3A_435 = tpu.memref_slice %arg3[%multiple_of3A_254] : memref<67108864xf32, #tpu.memory_space<hbm>> -> memref<2048xf32, #tpu.memory_space<hbm>>
    %dma_wait3A_436 = tpu.memref_slice %arg4[%multiple_of3A_248] : memref<32768xf32, #tpu.memory_space<vmem>> -> memref<2048xf32, #tpu.memory_space<vmem>>
    tpu.wait_dma2 semaphore(%arg5 : memref<!tpu.dma_semaphore, #tpu.memory_space<semaphore_mem>>) src(%dma_wait3A_436 : memref<2048xf32, #tpu.memory_space<vmem>>) dst(%dma_wait3A_435 : memref<2048xf32, #tpu.memory_space<hbm>>)
    %dma_wait3A_437 = tpu.memref_slice %arg4[%multiple_of3A_273] : memref<32768xf32, #tpu.memory_space<vmem>> -> memref<2048xf32, #tpu.memory_space<vmem>>
    %dma_wait3A_438 = tpu.memref_slice %arg3[%multiple_of3A_279] : memref<67108864xf32, #tpu.memory_space<hbm>> -> memref<2048xf32, #tpu.memory_space<hbm>>
    %dma_wait3A_439 = tpu.memref_slice %arg3[%multiple_of3A_279] : memref<67108864xf32, #tpu.memory_space<hbm>> -> memref<2048xf32, #tpu.memory_space<hbm>>
    %dma_wait3A_440 = tpu.memref_slice %arg4[%multiple_of3A_273] : memref<32768xf32, #tpu.memory_space<vmem>> -> memref<2048xf32, #tpu.memory_space<vmem>>
    tpu.wait_dma2 semaphore(%arg5 : memref<!tpu.dma_semaphore, #tpu.memory_space<semaphore_mem>>) src(%dma_wait3A_440 : memref<2048xf32, #tpu.memory_space<vmem>>) dst(%dma_wait3A_439 : memref<2048xf32, #tpu.memory_space<hbm>>)
    %dma_wait3A_441 = tpu.memref_slice %arg4[%multiple_of3A_298] : memref<32768xf32, #tpu.memory_space<vmem>> -> memref<2048xf32, #tpu.memory_space<vmem>>
    %dma_wait3A_442 = tpu.memref_slice %arg3[%multiple_of3A_304] : memref<67108864xf32, #tpu.memory_space<hbm>> -> memref<2048xf32, #tpu.memory_space<hbm>>
    %dma_wait3A_443 = tpu.memref_slice %arg3[%multiple_of3A_304] : memref<67108864xf32, #tpu.memory_space<hbm>> -> memref<2048xf32, #tpu.memory_space<hbm>>
    %dma_wait3A_444 = tpu.memref_slice %arg4[%multiple_of3A_298] : memref<32768xf32, #tpu.memory_space<vmem>> -> memref<2048xf32, #tpu.memory_space<vmem>>
    tpu.wait_dma2 semaphore(%arg5 : memref<!tpu.dma_semaphore, #tpu.memory_space<semaphore_mem>>) src(%dma_wait3A_444 : memref<2048xf32, #tpu.memory_space<vmem>>) dst(%dma_wait3A_443 : memref<2048xf32, #tpu.memory_space<hbm>>)
    %dma_wait3A_445 = tpu.memref_slice %arg4[%multiple_of3A_323] : memref<32768xf32, #tpu.memory_space<vmem>> -> memref<2048xf32, #tpu.memory_space<vmem>>
    %dma_wait3A_446 = tpu.memref_slice %arg3[%multiple_of3A_329] : memref<67108864xf32, #tpu.memory_space<hbm>> -> memref<2048xf32, #tpu.memory_space<hbm>>
    %dma_wait3A_447 = tpu.memref_slice %arg3[%multiple_of3A_329] : memref<67108864xf32, #tpu.memory_space<hbm>> -> memref<2048xf32, #tpu.memory_space<hbm>>
    %dma_wait3A_448 = tpu.memref_slice %arg4[%multiple_of3A_323] : memref<32768xf32, #tpu.memory_space<vmem>> -> memref<2048xf32, #tpu.memory_space<vmem>>
    tpu.wait_dma2 semaphore(%arg5 : memref<!tpu.dma_semaphore, #tpu.memory_space<semaphore_mem>>) src(%dma_wait3A_448 : memref<2048xf32, #tpu.memory_space<vmem>>) dst(%dma_wait3A_447 : memref<2048xf32, #tpu.memory_space<hbm>>)
    %dma_wait3A_449 = tpu.memref_slice %arg4[%multiple_of3A_348] : memref<32768xf32, #tpu.memory_space<vmem>> -> memref<2048xf32, #tpu.memory_space<vmem>>
    %dma_wait3A_450 = tpu.memref_slice %arg3[%multiple_of3A_354] : memref<67108864xf32, #tpu.memory_space<hbm>> -> memref<2048xf32, #tpu.memory_space<hbm>>
    %dma_wait3A_451 = tpu.memref_slice %arg3[%multiple_of3A_354] : memref<67108864xf32, #tpu.memory_space<hbm>> -> memref<2048xf32, #tpu.memory_space<hbm>>
    %dma_wait3A_452 = tpu.memref_slice %arg4[%multiple_of3A_348] : memref<32768xf32, #tpu.memory_space<vmem>> -> memref<2048xf32, #tpu.memory_space<vmem>>
    tpu.wait_dma2 semaphore(%arg5 : memref<!tpu.dma_semaphore, #tpu.memory_space<semaphore_mem>>) src(%dma_wait3A_452 : memref<2048xf32, #tpu.memory_space<vmem>>) dst(%dma_wait3A_451 : memref<2048xf32, #tpu.memory_space<hbm>>)
    %dma_wait3A_453 = tpu.memref_slice %arg4[%multiple_of3A_373] : memref<32768xf32, #tpu.memory_space<vmem>> -> memref<2048xf32, #tpu.memory_space<vmem>>
    %dma_wait3A_454 = tpu.memref_slice %arg3[%multiple_of3A_379] : memref<67108864xf32, #tpu.memory_space<hbm>> -> memref<2048xf32, #tpu.memory_space<hbm>>
    %dma_wait3A_455 = tpu.memref_slice %arg3[%multiple_of3A_379] : memref<67108864xf32, #tpu.memory_space<hbm>> -> memref<2048xf32, #tpu.memory_space<hbm>>
    %dma_wait3A_456 = tpu.memref_slice %arg4[%multiple_of3A_373] : memref<32768xf32, #tpu.memory_space<vmem>> -> memref<2048xf32, #tpu.memory_space<vmem>>
    tpu.wait_dma2 semaphore(%arg5 : memref<!tpu.dma_semaphore, #tpu.memory_space<semaphore_mem>>) src(%dma_wait3A_456 : memref<2048xf32, #tpu.memory_space<vmem>>) dst(%dma_wait3A_455 : memref<2048xf32, #tpu.memory_space<hbm>>)
    %dma_wait3A_457 = tpu.memref_slice %arg4[%multiple_of3A_398] : memref<32768xf32, #tpu.memory_space<vmem>> -> memref<2048xf32, #tpu.memory_space<vmem>>
    %dma_wait3A_458 = tpu.memref_slice %arg3[%multiple_of3A_404] : memref<67108864xf32, #tpu.memory_space<hbm>> -> memref<2048xf32, #tpu.memory_space<hbm>>
    %dma_wait3A_459 = tpu.memref_slice %arg3[%multiple_of3A_404] : memref<67108864xf32, #tpu.memory_space<hbm>> -> memref<2048xf32, #tpu.memory_space<hbm>>
    %dma_wait3A_460 = tpu.memref_slice %arg4[%multiple_of3A_398] : memref<32768xf32, #tpu.memory_space<vmem>> -> memref<2048xf32, #tpu.memory_space<vmem>>
    tpu.wait_dma2 semaphore(%arg5 : memref<!tpu.dma_semaphore, #tpu.memory_space<semaphore_mem>>) src(%dma_wait3A_460 : memref<2048xf32, #tpu.memory_space<vmem>>) dst(%dma_wait3A_459 : memref<2048xf32, #tpu.memory_space<hbm>>)
    %dma_wait3A_461 = tpu.memref_slice %arg4[%multiple_of3A_423] : memref<32768xf32, #tpu.memory_space<vmem>> -> memref<2048xf32, #tpu.memory_space<vmem>>
    %dma_wait3A_462 = tpu.memref_slice %arg3[%multiple_of3A_429] : memref<67108864xf32, #tpu.memory_space<hbm>> -> memref<2048xf32, #tpu.memory_space<hbm>>
    %dma_wait3A_463 = tpu.memref_slice %arg3[%multiple_of3A_429] : memref<67108864xf32, #tpu.memory_space<hbm>> -> memref<2048xf32, #tpu.memory_space<hbm>>
    %dma_wait3A_464 = tpu.memref_slice %arg4[%multiple_of3A_423] : memref<32768xf32, #tpu.memory_space<vmem>> -> memref<2048xf32, #tpu.memory_space<vmem>>
    tpu.wait_dma2 semaphore(%arg5 : memref<!tpu.dma_semaphore, #tpu.memory_space<semaphore_mem>>) src(%dma_wait3A_464 : memref<2048xf32, #tpu.memory_space<vmem>>) dst(%dma_wait3A_463 : memref<2048xf32, #tpu.memory_space<hbm>>)
    %dma_wait3A_465 = tpu.memref_slice %arg4[%multiple_of3A_248] : memref<32768xf32, #tpu.memory_space<vmem>> -> memref<2048xf32, #tpu.memory_space<vmem>>
    %dma_wait3A_466 = tpu.memref_slice %arg3[%multiple_of3A_254] : memref<67108864xf32, #tpu.memory_space<hbm>> -> memref<2048xf32, #tpu.memory_space<hbm>>
    %dma_wait3A_467 = tpu.memref_slice %arg3[%multiple_of3A_254] : memref<67108864xf32, #tpu.memory_space<hbm>> -> memref<2048xf32, #tpu.memory_space<hbm>>
    %dma_wait3A_468 = tpu.memref_slice %arg4[%multiple_of3A_248] : memref<32768xf32, #tpu.memory_space<vmem>> -> memref<2048xf32, #tpu.memory_space<vmem>>
    tpu.wait_dma2 semaphore(%arg5 : memref<!tpu.dma_semaphore, #tpu.memory_space<semaphore_mem>>) src(%dma_wait3A_468 : memref<2048xf32, #tpu.memory_space<vmem>>) dst(%dma_wait3A_467 : memref<2048xf32, #tpu.memory_space<hbm>>)
    %dma_wait3A_469 = tpu.memref_slice %arg4[%multiple_of3A_273] : memref<32768xf32, #tpu.memory_space<vmem>> -> memref<2048xf32, #tpu.memory_space<vmem>>
    %dma_wait3A_470 = tpu.memref_slice %arg3[%multiple_of3A_279] : memref<67108864xf32, #tpu.memory_space<hbm>> -> memref<2048xf32, #tpu.memory_space<hbm>>
    %dma_wait3A_471 = tpu.memref_slice %arg3[%multiple_of3A_279] : memref<67108864xf32, #tpu.memory_space<hbm>> -> memref<2048xf32, #tpu.memory_space<hbm>>
    %dma_wait3A_472 = tpu.memref_slice %arg4[%multiple_of3A_273] : memref<32768xf32, #tpu.memory_space<vmem>> -> memref<2048xf32, #tpu.memory_space<vmem>>
    tpu.wait_dma2 semaphore(%arg5 : memref<!tpu.dma_semaphore, #tpu.memory_space<semaphore_mem>>) src(%dma_wait3A_472 : memref<2048xf32, #tpu.memory_space<vmem>>) dst(%dma_wait3A_471 : memref<2048xf32, #tpu.memory_space<hbm>>)
    %dma_wait3A_473 = tpu.memref_slice %arg4[%multiple_of3A_298] : memref<32768xf32, #tpu.memory_space<vmem>> -> memref<2048xf32, #tpu.memory_space<vmem>>
    %dma_wait3A_474 = tpu.memref_slice %arg3[%multiple_of3A_304] : memref<67108864xf32, #tpu.memory_space<hbm>> -> memref<2048xf32, #tpu.memory_space<hbm>>
    %dma_wait3A_475 = tpu.memref_slice %arg3[%multiple_of3A_304] : memref<67108864xf32, #tpu.memory_space<hbm>> -> memref<2048xf32, #tpu.memory_space<hbm>>
    %dma_wait3A_476 = tpu.memref_slice %arg4[%multiple_of3A_298] : memref<32768xf32, #tpu.memory_space<vmem>> -> memref<2048xf32, #tpu.memory_space<vmem>>
    tpu.wait_dma2 semaphore(%arg5 : memref<!tpu.dma_semaphore, #tpu.memory_space<semaphore_mem>>) src(%dma_wait3A_476 : memref<2048xf32, #tpu.memory_space<vmem>>) dst(%dma_wait3A_475 : memref<2048xf32, #tpu.memory_space<hbm>>)
    %dma_wait3A_477 = tpu.memref_slice %arg4[%multiple_of3A_323] : memref<32768xf32, #tpu.memory_space<vmem>> -> memref<2048xf32, #tpu.memory_space<vmem>>
    %dma_wait3A_478 = tpu.memref_slice %arg3[%multiple_of3A_329] : memref<67108864xf32, #tpu.memory_space<hbm>> -> memref<2048xf32, #tpu.memory_space<hbm>>
    %dma_wait3A_479 = tpu.memref_slice %arg3[%multiple_of3A_329] : memref<67108864xf32, #tpu.memory_space<hbm>> -> memref<2048xf32, #tpu.memory_space<hbm>>
    %dma_wait3A_480 = tpu.memref_slice %arg4[%multiple_of3A_323] : memref<32768xf32, #tpu.memory_space<vmem>> -> memref<2048xf32, #tpu.memory_space<vmem>>
    tpu.wait_dma2 semaphore(%arg5 : memref<!tpu.dma_semaphore, #tpu.memory_space<semaphore_mem>>) src(%dma_wait3A_480 : memref<2048xf32, #tpu.memory_space<vmem>>) dst(%dma_wait3A_479 : memref<2048xf32, #tpu.memory_space<hbm>>)
    %dma_wait3A_481 = tpu.memref_slice %arg4[%multiple_of3A_348] : memref<32768xf32, #tpu.memory_space<vmem>> -> memref<2048xf32, #tpu.memory_space<vmem>>
    %dma_wait3A_482 = tpu.memref_slice %arg3[%multiple_of3A_354] : memref<67108864xf32, #tpu.memory_space<hbm>> -> memref<2048xf32, #tpu.memory_space<hbm>>
    %dma_wait3A_483 = tpu.memref_slice %arg3[%multiple_of3A_354] : memref<67108864xf32, #tpu.memory_space<hbm>> -> memref<2048xf32, #tpu.memory_space<hbm>>
    %dma_wait3A_484 = tpu.memref_slice %arg4[%multiple_of3A_348] : memref<32768xf32, #tpu.memory_space<vmem>> -> memref<2048xf32, #tpu.memory_space<vmem>>
    tpu.wait_dma2 semaphore(%arg5 : memref<!tpu.dma_semaphore, #tpu.memory_space<semaphore_mem>>) src(%dma_wait3A_484 : memref<2048xf32, #tpu.memory_space<vmem>>) dst(%dma_wait3A_483 : memref<2048xf32, #tpu.memory_space<hbm>>)
    %dma_wait3A_485 = tpu.memref_slice %arg4[%multiple_of3A_373] : memref<32768xf32, #tpu.memory_space<vmem>> -> memref<2048xf32, #tpu.memory_space<vmem>>
    %dma_wait3A_486 = tpu.memref_slice %arg3[%multiple_of3A_379] : memref<67108864xf32, #tpu.memory_space<hbm>> -> memref<2048xf32, #tpu.memory_space<hbm>>
    %dma_wait3A_487 = tpu.memref_slice %arg3[%multiple_of3A_379] : memref<67108864xf32, #tpu.memory_space<hbm>> -> memref<2048xf32, #tpu.memory_space<hbm>>
    %dma_wait3A_488 = tpu.memref_slice %arg4[%multiple_of3A_373] : memref<32768xf32, #tpu.memory_space<vmem>> -> memref<2048xf32, #tpu.memory_space<vmem>>
    tpu.wait_dma2 semaphore(%arg5 : memref<!tpu.dma_semaphore, #tpu.memory_space<semaphore_mem>>) src(%dma_wait3A_488 : memref<2048xf32, #tpu.memory_space<vmem>>) dst(%dma_wait3A_487 : memref<2048xf32, #tpu.memory_space<hbm>>)
    %dma_wait3A_489 = tpu.memref_slice %arg4[%multiple_of3A_398] : memref<32768xf32, #tpu.memory_space<vmem>> -> memref<2048xf32, #tpu.memory_space<vmem>>
    %dma_wait3A_490 = tpu.memref_slice %arg3[%multiple_of3A_404] : memref<67108864xf32, #tpu.memory_space<hbm>> -> memref<2048xf32, #tpu.memory_space<hbm>>
    %dma_wait3A_491 = tpu.memref_slice %arg3[%multiple_of3A_404] : memref<67108864xf32, #tpu.memory_space<hbm>> -> memref<2048xf32, #tpu.memory_space<hbm>>
    %dma_wait3A_492 = tpu.memref_slice %arg4[%multiple_of3A_398] : memref<32768xf32, #tpu.memory_space<vmem>> -> memref<2048xf32, #tpu.memory_space<vmem>>
    tpu.wait_dma2 semaphore(%arg5 : memref<!tpu.dma_semaphore, #tpu.memory_space<semaphore_mem>>) src(%dma_wait3A_492 : memref<2048xf32, #tpu.memory_space<vmem>>) dst(%dma_wait3A_491 : memref<2048xf32, #tpu.memory_space<hbm>>)
    %dma_wait3A_493 = tpu.memref_slice %arg4[%multiple_of3A_423] : memref<32768xf32, #tpu.memory_space<vmem>> -> memref<2048xf32, #tpu.memory_space<vmem>>
    %dma_wait3A_494 = tpu.memref_slice %arg3[%multiple_of3A_429] : memref<67108864xf32, #tpu.memory_space<hbm>> -> memref<2048xf32, #tpu.memory_space<hbm>>
    %dma_wait3A_495 = tpu.memref_slice %arg3[%multiple_of3A_429] : memref<67108864xf32, #tpu.memory_space<hbm>> -> memref<2048xf32, #tpu.memory_space<hbm>>
    %dma_wait3A_496 = tpu.memref_slice %arg4[%multiple_of3A_423] : memref<32768xf32, #tpu.memory_space<vmem>> -> memref<2048xf32, #tpu.memory_space<vmem>>
    tpu.wait_dma2 semaphore(%arg5 : memref<!tpu.dma_semaphore, #tpu.memory_space<semaphore_mem>>) src(%dma_wait3A_496 : memref<2048xf32, #tpu.memory_space<vmem>>) dst(%dma_wait3A_495 : memref<2048xf32, #tpu.memory_space<hbm>>)
    return
  }
}

</mosaic_0001>

<sc_bundles>
// kernel: kernel.3.cloned.1.call-start
scs
__scs_entry_jumppad:
0x0: {  	(pc) =	sbr.rel $0x88, $3  }
0x1: {  	(tag) =	ssettag $0x0;
	lr =	simm.s32 $0x1  }
0x2: {  	[smem:$0x3FA0] =	sst lr;
	_ =	strace $0xD0000000  }
0x3: {  	_ = 	snop  }
0x4: {  	_ = 	snop  }
0x5: {  	_ = 	snop  }
0x6: {  	_ = 	snop  }
0x7: {  	_ = 	snop  }
__scs_overlays_trampoline_lowered:
0x8: {  	[smem:$0x3FAF] =	sst s0  }
0x9: {  	[smem:$0x3FB0] =	sst s1  }
0xa: {  	[smem:$0x3FB1] =	sst s2  }
0xb: {  	[smem:$0x3FB2] =	sst s3  }
0xc: {  	[smem:$0x3FB3] =	sst s4  }
0xd: {  	[smem:$0x3FB4] =	sst s5  }
0xe: {  	[smem:$0x3FB5] =	sst s6  }
0xf: {  	[smem:$0x3FB6] =	sst s7  }
0x10: {  	[smem:$0x3FB7] =	sst s8  }
0x11: {  	[smem:$0x3FB8] =	sst s9;
	s0 =	simm.s32 @!p0 $0x0  }
0x12: {  	s1 =	sld [smem:$0x3F9E];
	s0 =	simm.s32 @p0 $0x1  }
0x13: {  	[smem:$0x3FB9] =	sst s0;
	s0 =	simm.s32 @!p1 $0x0  }
0x14: {  	s2 =	sld [smem:$0x3F9D];
	s0 =	simm.s32 @p1 $0x1  }
0x15: {  	[smem:$0x3FBA] =	sst s0;
	s0 =	simm.s32 @!p2 $0x0  }
0x16: {  	s3 =	sld [smem:$0x3FDB];
	s0 =	simm.s32 @p2 $0x1  }
0x17: {  	s4 =	simm.s32 $0x1BF5;
	[smem:$0x3FBC] =	sst s0  }
0x18: {  	s0 =	sld [smem:$0x3F9F];
	_ =	swait.ge [sflag:s4], $0x0  }
0x19: {  	s7 =	sld [smem:$0x3FA0]  }
0x1a: {  	s8 =	sadd.s32 $0xFFFFE003, lr  }
0x1b: {  	s9 =	sadd.s32 $0xFFFFFEF7, lr;
	s5 =	simm.s32 $0xFFFFFFFF;
	p2 =	slt.u32 s8, $0xFFFFF086  }
0x1c: {  	p1 =	slt.u32 s9, $0xF7A;
	s5 =	simm.s32 @!p2 $0x0  }
0x1d: {  	s5 =	simm.s32 @p1 $0x1;
	p0 =	seq.s32 s7, s2  }
0x1e: {  	s7 =	smul.u32 @!p0 $0xF7A, s2;
	p2 =	seq.s32 @!p0 s5, $0x0  }
0x1f: {  	s9 =	smul.u32 $0xF7A, s1;
	s8 =	simm.s32 @!p0 $0x1BF5;
	p2 =	por !p2, p0  }
0x20: {  	[sflag:s8] =	ssyncset.s32 @!p0 $0xFFFFF086;
	s6 =	sadd.s32 @!p0 s3, s7;
	s7 =	simm.s32 @!p0 $0x108  }
0x21: {  	s3 =	sadd.s32 s3, s9;
	s6 =	sadd.s32 @!p0 $0x88, s6;
	s7 =	simm.s32 @p2 $0x1082  }
0x22: {  	[simem:s7], [sflag:s8] =	dma.local @!p0 [hbm:s6], $0xF7A  }
0x23: {  	s9 =	sor.u32 $0xD0000000, s2;
	s6 =	simm.s32 $0x108;
	_ =	swait.ge @!p0 [sflag:s8], $0x0  }
0x24: {  	s3 =	sadd.s32 $0x88, s3;
	s6 =	simm.s32 @!p1 $0x1082;
	[sflag:s4] =	ssyncset.s32 $0xFFFFF086  }
0x25: {  	[simem:s6], [sflag:s4] =	dma.local [hbm:s3], $0xF7A  }
0x26: {  	[smem:$0x3FA0] =	sst s1;
	(tag) =	ssettag s2;
	_ =	strace s9  }
0x27: {  	s1 =	sld [smem:$0x3FB0]  }
0x28: {  	s2 =	sld [smem:$0x3FB1]  }
0x29: {  	s4 =	sld [smem:$0x3FB3]  }
0x2a: {  	p0 =	seq.s32 s5, $0x0;
	s5 =	sld [smem:$0x3FB4]  }
0x2b: {  	s6 =	sld [smem:$0x3FB5]  }
0x2c: {  	s7 =	sld [smem:$0x3FB6]  }
0x2d: {  	s3 =	simm.s32 $0x108;
	s8 =	sld [smem:$0x3FB7]  }
0x2e: {  	s3 =	simm.s32 @!p0 $0x1082;
	s9 =	sld [smem:$0x3FB8]  }
0x2f: {  	lr =	sadd.s32 s0, s3;
	s0 =	sld [smem:$0x3FAF]  }
0x30: {  	s3 =	sld [smem:$0x3FB2]  }
0x31: {  	[smem:$0x3FBB] =	sst s10  }
0x32: {  	s10 =	sld [smem:$0x3FB9];
	_ =	sdelay $0x3  }
0x33: {  	p0 =	seq.s32 s10, $0x1;
	s10 =	sld [smem:$0x3FBB];
	_ =	sdelay $0x3  }
0x34: {  	[smem:$0x3FBB] =	sst s10  }
0x35: {  	s10 =	sld [smem:$0x3FBA];
	_ =	sdelay $0x3  }
0x36: {  	p1 =	seq.s32 s10, $0x1;
	s10 =	sld [smem:$0x3FBB];
	_ =	sdelay $0x3  }
0x37: {  	[smem:$0x3FBB] =	sst s10  }
0x38: {  	s10 =	sld [smem:$0x3FBC]  }
0x39: {  	_ = 	snop;
	(pc) =	sbr.ind lr, $3  }
0x3a: {  	_ = 	snop  }
0x3b: {  	_ = 	snop  }
0x3c: {  	p2 =	seq.s32 s10, $0x1;
	s10 =	sld [smem:$0x3FBB]  }
0x3d: {  	_ =	shalt  }
0x3e: {  	_ =	shalt  }
0x3f: {  	_ =	shalt  }
0x40: {  	_ =	shalt  }
0x41: {  	_ =	shalt  }
0x42: {  	_ =	shalt  }
0x43: {  	_ =	shalt  }
0x44: {  	_ =	shalt  }
0x45: {  	_ =	shalt  }
0x46: {  	_ =	shalt  }
0x47: {  	_ =	shalt  }
0x48: {  	_ =	shalt  }
0x49: {  	_ =	shalt  }
0x4a: {  	_ =	shalt  }
0x4b: {  	_ =	shalt  }
0x4c: {  	_ =	shalt  }
0x4d: {  	_ =	shalt  }
0x4e: {  	_ =	shalt  }
0x4f: {  	_ =	shalt  }
0x50: {  	_ =	shalt  }
0x51: {  	_ =	shalt  }
0x52: {  	_ =	shalt  }
0x53: {  	_ =	shalt  }
0x54: {  	_ =	shalt  }
0x55: {  	_ =	shalt  }
0x56: {  	_ =	shalt  }
0x57: {  	_ =	shalt  }
0x58: {  	_ =	shalt  }
0x59: {  	_ =	shalt  }
0x5a: {  	_ =	shalt  }
0x5b: {  	_ =	shalt  }
0x5c: {  	_ =	shalt  }
0x5d: {  	_ =	shalt  }
0x5e: {  	_ =	shalt  }
0x5f: {  	_ =	shalt  }
0x60: {  	_ =	shalt  }
0x61: {  	_ =	shalt  }
0x62: {  	_ =	shalt  }
0x63: {  	_ =	shalt  }
0x64: {  	_ =	shalt  }
0x65: {  	_ =	shalt  }
0x66: {  	_ =	shalt  }
0x67: {  	_ =	shalt  }
0x68: {  	_ =	shalt  }
0x69: {  	_ =	shalt  }
0x6a: {  	_ =	shalt  }
0x6b: {  	_ =	shalt  }
0x6c: {  	_ =	shalt  }
0x6d: {  	_ =	shalt  }
0x6e: {  	_ =	shalt  }
0x6f: {  	_ =	shalt  }
0x70: {  	_ =	shalt  }
0x71: {  	_ =	shalt  }
0x72: {  	_ =	shalt  }
0x73: {  	_ =	shalt  }
0x74: {  	_ =	shalt  }
0x75: {  	_ =	shalt  }
0x76: {  	_ =	shalt  }
0x77: {  	_ =	shalt  }
0x78: {  	_ =	shalt  }
0x79: {  	_ =	shalt  }
0x7a: {  	_ =	shalt  }
0x7b: {  	_ =	shalt  }
0x7c: {  	_ =	shalt  }
0x7d: {  	_ =	shalt  }
0x7e: {  	_ =	shalt  }
0x7f: {  	_ =	shalt  }
0x80: {  	_ =	shalt  }
0x81: {  	_ =	shalt  }
0x82: {  	_ =	shalt  }
0x83: {  	_ =	shalt  }
0x84: {  	_ =	shalt  }
0x85: {  	_ =	shalt  }
0x86: {  	_ =	shalt  }
0x87: {  	_ =	shalt  }
.Lfunc_end0:
.L_simem_size_0:
called_computation_lowered:
.L_overlay_start_0:
0x88: {  	s2 =	sld [smem:$0x3FD9]  }
0x89: {  	s3 =	sld [smem:$0x3FFE];
	_ =	sdelay $0x1  }
0x8a: {  	s1 =	srdreg.scid  }
0x8b: {  	s0 =	sand.u32 $0x1, s1  }
0x8c: {  	s17 =	sshll.u32 s0, $0xA;
	s2 =	sadd.s32 s3, s2  }
0x8d: {  	s2 =	sadd.s32 s2, s17  }
0x8e: {  	[smem:$0x3FC7] =	sst s2  }
0x8f: {  	_ = 	snop  }
0x90: {  	s2 =	sld [smem:$0x3FD0];
	(tm) =	ssettm $0x1  }
0x91: {  	s18 =	sld [smem:$0x3FFB];
	_ =	sdelay $0x3  }
0x92: {  	_ =	strace s18  }
0x93: {  	s3 =	sld [smem:$0x3FFC];
	_ =	sdelay $0x3  }
0x94: {  	_ =	strace s3  }
0x95: {  	s3 =	sld [smem:$0x3FFD];
	_ =	sdelay $0x3  }
0x96: {  	_ =	strace s3  }
0x97: {  	_ =	strace $0x8FFFFFFF  }
0x98: {  	s19 =	sld [smem:$0x3FDB];
	_ =	sdelay $0x1  }
0x99: {  	s4 =	simm.s32 $_scs_section_size  }
0x9a: {  	s5 =	simm.s32 $_size__tile_overlayer_lowered;
	s6 =	simm.s32 $_tile_overlayer_lowered  }
0x9b: {  	s22 =	simm.s32 $0x1BFF;
	s21 =	sshll.u32 s6, $0x1;
	s3 =	sadd.s32 s4, s19  }
0x9c: {  	s7 =	simm.s32 $0x0;
	s20 =	sshll.u32 s5, $0x1;
	s5 =	sadd.s32 s21, s3  }
0x9d: {  	[timem:s7], [sflag:s22] =	dma.local [hbm:s5], s20  }
0x9e: {  	_ =	swait.ge [sflag:s22], s20  }
0x9f: {  	s4 =	ssub.s32 $0x0, s20;
	[sflag:s22] =	ssyncset.done $0x0  }
0xa0: {  	[sflag:s22] =	ssyncadd.s32 s4;
	_ =	sdelay $0x1  }
0xa1: {  	s23 =	simm.s32 $0x1B8B  }
0xa2: {  	_ =	swait.ge [sflag:s23], $0x1  }
0xa3: {  	[sflag:s23] =	ssyncset.done $0x0  }
0xa4: {  	s25 =	simm.s32 $0x1B8E;
	s24 =	sld [smem:$0x3FFE];
	[sflag:s23] =	ssyncadd.s32 $0xFFFFFFFF  }
0xa5: {  	s26 =	simm.s32 $execute0_lowered;
	[smem:$0x3FD2] =	sst s25  }
0xa6: {  	s5 =	sshll.u32 s26, $0x1;
	_ =	strace $0x80000046;
	[dreg:$0x1] =	wrdreg $0xFFFFFFFF  }
0xa7: {  	s28 =	simm.s32 $_size_execute0_lowered;
	s3 =	sadd.s32 s3, s5;
	[dreg:$0x0] =	wrdreg $0x0  }
0xa8: {  	s5 =	sshll.u32 s28, $0x1;
	[dreg:$0x2] =	wrdreg s3  }
0xa9: {  	[dreg:$0x3] =	wrdreg s5  }
0xaa: {  	[dreg:$0x4] =	wrdreg $0xC0  }
0xab: {  	_ =	task [dreg:s7], $0x5FFFF  }
0xac: {  	[dreg:$0x1] =	wrdreg $0xFFFFFFFF  }
0xad: {  	[dreg:$0x0] =	wrdreg $0x60  }
0xae: {  	[dreg:$0x2] =	wrdreg s2  }
0xaf: {  	[dreg:$0x3] =	wrdreg s24  }
0xb0: {  	[dreg:$0x4] =	wrdreg $0x9  }
0xb1: {  	_ =	task.clear_ibuf [dreg:s7], $0x5FFFF;
	_ =	strace $0x90000046  }
0xb2: {  	s29 =	simm.s32 $0x9;
	_ =	strace $0x80000048  }
0xb3: {  	_ =	swait.ge [sflag:s29], $0x1  }
0xb4: {  	[sflag:s29] =	ssyncadd.s32 $0xFFFFFFFF  }
0xb5: {  	_ =	strace $0x90000048  }
0xb6: {  	_ =	sfence  }
0xb7: {  	s30 =	sld [smem:$0x0];
	_ =	sdelay $0x2  }
0xb8: {  	s31 =	sshll.u32 s1, $0xD;
	s1 =	sshrl.u32 s1, $0x2  }
0xb9: {  	s3 =	sand.u32 $0x4000, s31;
	s1 =	sadd.s32 s1, s30  }
0xba: {  	s0 =	sor.u32 s3, s0;
	s1 =	sshll.u32 s1, $0x11  }
0xbb: {  	s0 =	sor.u32 s1, s0  }
0xbc: {  	s0 =	sadd.s32 $0x8F2B, s0  }
0xbd: {  	[sflag:s0] =	ssyncadd.remote.s32 $0x1  }
0xbe: {  	_ =	sfence.sel $0xFFFF  }
0xbf: {  	[dreg:$0x0] =	wrdreg $0xFFFFFFFF;
	(pc) =	sbr.abs _section_cstart, $3  }
0xc0: {  	[dreg:$0x1] =	wrdreg $0xFFFFFFFF  }
0xc1: {  	_ =	task.clear_ibuf [dreg:s7], $0x2FFFF;
	_ =	strace $0x9FFFFFFF  }
0xc2: {  	(tm) =	ssettm $0x7FFFFFFF  }
0xc3: {  	_ =	shalt  }
tec
execute0_lowered:
.L_overlay_start_1:
0x0: {  	(tag) =	ssettag $0x1  }
0x1: {  	s0 =	srdreg.scid  }
0x2: {  	s6 =	stileid.u32;
	s0 =	sand.u32 $0x1, s0  }
0x3: {  	s3 =	sor.u32 s0, s6  }
0x4: {  	s1 =	rddreg [dreg:$0x0];
	p1 =	seq.s32 s0, $0x1;
	p0 =	seq.s32 s3, $0x0  }
0x5: {  	s2 =	rddreg [dreg:$0x1];
	p0 =	por !p0, !p1  }
0x6: {  	s4 =	simm.s32 $0x1;
	s28 =	simm.s32 $0x0;
	p0 =	por !p0, !p0  }
0x7: {  	s5 =	ssub.s32 $0x2, s0;
	s12 =	sshll.u32 s0, $0x12;
	s4 =	simm.s32 @!p0 $0x0  }
0x8: {  	s3 =	simm.s32 $0x0;
	s26 =	sshrl.u32 s5, $0x1;
	s4 =	ssub.s32 s6, s4  }
0x9: {  	[smem:$0x7FF] =	sst s3;
	s7 =	sshll.u32 s4, $0xF;
	s8 =	sshll.u32 s4, $0x7  }
0xa: {  	_ =	strace $0x80000047;
	s9 =	sand.u32 $0xFFFC0000, s7;
	s10 =	sand.u32 $0x380, s8  }
0xb: {  	s6 =	ssub.s32 s5, s26;
	s11 =	sshll.u32 s4, $0x13;
	s5 =	sor.u32 s10, s9  }
0xc: {  	s4 =	simm.s32 $0x1;
	s9 =	sshrl.u32 s5, $0x3;
	s5 =	sor.u32 s12, s11  }
0xd: {  	s6 =	smax.u32 s6, $0x1;
	s1 =	sadd.s32 s1, s9;
	s7 =	sand.u32 $0x1FFC0000, s5  }
0xe: {  	s13 =	sor.u32 $0x100, s5;
	s8 =	sor.u32 $0x200, s5;
	s15 =	sor.u32 $0x300, s5  }
0xf: {  	s17 =	sor.u32 $0x400, s5;
	s18 =	sor.u32 $0x500, s5;
	s20 =	sor.u32 $0x600, s5  }
0x10: {  	s21 =	sor.u32 $0x700, s5;
	[dreg:$0x4] =	wrdreg s1;
	s1 =	sshll.u32 s0, $0xA  }
0x11: {  	s10 =	sadd.s32 s2, s7;
	s7 =	sand.u32 $0x1FFC0100, s13;
	s14 =	sand.u32 $0x1FFC0200, s8  }
0x12: {  	[dreg:$0x9] =	wrdreg s6;
	s16 =	sand.u32 $0x1FFC0300, s15;
	s19 =	sand.u32 $0x1FFC0500, s18  }
0x13: {  	s0 =	sshll.u32 s0, $0xC;
	s22 =	sand.u32 $0x1FFC0700, s21;
	s9 =	sxor.u32 $0x77F8, s1  }
0x14: {  	s23 =	sxor.u32 $0x67F8, s1;
	s24 =	sadd.s32 s2, s7;
	s25 =	sxor.u32 $0x57F8, s1  }
0x15: {  	s26 =	sadd.s32 s2, s14;
	s29 =	sxor.u32 $0x47F8, s1;
	s30 =	sadd.s32 s2, s16  }
0x16: {  	s31 =	sxor.u32 $0x37F8, s1;
	s7 =	sand.u32 $0x1FFC0400, s17;
	s12 =	sxor.u32 $0x27F8, s1  }
0x17: {  	s13 =	sadd.s32 s2, s19;
	s14 =	sxor.u32 $0x17F8, s1;
	s0 =	ssub.s32 $0x0, s0  }
0x18: {  	[dreg:$0x8] =	wrdreg s10;
	s11 =	sadd.s32 s2, s7;
	s7 =	sand.u32 $0x1FFC0600, s20  }
0x19: {  	s8 =	smov.u32 s14;
	s0 =	sshra.s32 s0, $0x2;
	[dreg:$0x7] =	wrdreg s9  }
0x1a: {  	s14 =	sxor.u32 $0x7F8, s1;
	s6 =	smov.u32 s12;
	[dreg:$0x3] =	wrdreg s0  }
0x1b: {  	s15 =	sadd.s32 s2, s7;
	s1 =	smov.u32 s11;
	[dreg:$0x5] =	wrdreg s8  }
0x1c: {  	s11 =	sadd.s32 s2, s22;
	s7 =	smov.u32 s13;
	[dreg:$0x6] =	wrdreg s15  }
.LBB2_1:
0x1d: {  	s0 =	rddreg [dreg:$0x4]  }
0x1e: {  	s12 =	simm.s32 $0x80;
	s13 =	simm.s32 $0x400;
	s22 =	simm.s32 $0x2  }
0x1f: {  	[tilespmem:s3], [sflag:$0x2] =	stream.strided.gather [hbm4b:s0+s12], $0x8000, s13, s12, $0x38;
	[tilespmem:$0x8000] =	vst v63  }
0x20: {  	_ =	swait.ge [sflag:s22], $0x8000  }
0x21: {  	[sflag:s22] =	ssyncset.done $0x0  }
0x22: {  	[sflag:s22] =	ssyncadd.s32 $0xFFFF8000  }
0x23: {  	[hbm4b:s10+s3] =	stream.linear.scatter [tilespmem:s9], [sflag:$0x1], $0x800, $0x38;
	[tilespmem:$0x8000] =	vst v63  }
0x24: {  	s16 =	smov.u32 s26;
	s17 =	smov.u32 s29;
	s20 =	smov.u32 s1  }
0x25: {  	[hbm4b:s24+s3] =	stream.linear.scatter [tilespmem:s23], [sflag:$0x1], $0x800, $0x38;
	[tilespmem:$0x8000] =	vst v63  }
0x26: {  	s21 =	smov.u32 s6;
	s13 =	smov.u32 s23;
	s22 =	smov.u32 s7  }
0x27: {  	[hbm4b:s26+s3] =	stream.linear.scatter [tilespmem:s25], [sflag:$0x1], $0x800, $0x38;
	[tilespmem:$0x8000] =	vst v63  }
0x28: {  	s10 =	smov.u32 s14;
	s14 =	smov.u32 s24;
	s9 =	sadd.s32 $0x900, s5  }
0x29: {  	[hbm4b:s30+s3] =	stream.linear.scatter [tilespmem:s29], [sflag:$0x1], $0x800, $0x38;
	[tilespmem:$0x8000] =	vst v63  }
0x2a: {  	s0 =	sand.u32 $0x1FFFF900, s9;
	s24 =	smov.u32 s15;
	s15 =	smov.u32 s25  }
0x2b: {  	[hbm4b:s1+s3] =	stream.linear.scatter [tilespmem:s31], [sflag:$0x1], $0x800, $0x38;
	[tilespmem:$0x8000] =	vst v63  }
0x2c: {  	s23 =	rddreg [dreg:$0x3];
	s0 =	sadd.s32 s2, s0;
	s29 =	sadd.s32 $0x800, s5  }
0x2d: {  	[hbm4b:s7+s3] =	stream.linear.scatter [tilespmem:s6], [sflag:$0x1], $0x800, $0x38;
	[tilespmem:$0x8000] =	vst v63  }
0x2e: {  	s25 =	sadd.s32 $0xC00, s5;
	s26 =	sand.u32 $0x1FFFF800, s29;
	s6 =	sadd.s32 $0x0, s23  }
0x2f: {  	[hbm4b:s24+s3] =	stream.linear.scatter [tilespmem:s8], [sflag:$0x1], $0x800, $0x38;
	[tilespmem:$0x8000] =	vst v63  }
0x30: {  	s23 =	sadd.s32 s2, s26;
	s9 =	sadd.s32 $0x77F0, s6;
	s24 =	sadd.s32 $0xB00, s5  }
0x31: {  	s8 =	smov.u32 s11;
	s11 =	smov.u32 s10;
	s7 =	sand.u32 $0x1FFFFB00, s24  }
0x32: {  	[hbm4b:s8+s3] =	stream.linear.scatter [tilespmem:s10], [sflag:$0x1], $0x800, $0x38;
	[tilespmem:$0x8000] =	vst v63  }
0x33: {  	s12 =	smov.u32 s8;
	s10 =	sadd.s32 $0xA00, s5;
	s8 =	sand.u32 $0x1FFFFC00, s25  }
0x34: {  	[hbm4b:s23+s3] =	stream.linear.scatter [tilespmem:s9], [sflag:$0x1], $0x800, $0x38;
	[tilespmem:$0x8000] =	vst v63  }
0x35: {  	s26 =	sadd.s32 $0x57F0, s6;
	s25 =	sadd.s32 $0x67F0, s6;
	s1 =	sand.u32 $0x1FFFFA00, s10  }
0x36: {  	[hbm4b:s0+s3] =	stream.linear.scatter [tilespmem:s25], [sflag:$0x1], $0x800, $0x38;
	[tilespmem:$0x8000] =	vst v63  }
0x37: {  	s7 =	sadd.s32 s2, s7;
	s10 =	sadd.s32 $0xD00, s5;
	s1 =	sadd.s32 s2, s1  }
0x38: {  	[hbm4b:s1+s3] =	stream.linear.scatter [tilespmem:s26], [sflag:$0x1], $0x800, $0x38;
	[tilespmem:$0x8000] =	vst v63  }
0x39: {  	s24 =	sadd.s32 s2, s8;
	s0 =	sand.u32 $0x1FFFFD00, s10;
	s10 =	sadd.s32 $0x47F0, s6  }
0x3a: {  	[hbm4b:s7+s3] =	stream.linear.scatter [tilespmem:s10], [sflag:$0x1], $0x800, $0x38;
	[tilespmem:$0x8000] =	vst v63  }
0x3b: {  	s9 =	sadd.s32 $0xE00, s5;
	s25 =	sadd.s32 $0x37F0, s6;
	s0 =	sadd.s32 s2, s0  }
0x3c: {  	[hbm4b:s24+s3] =	stream.linear.scatter [tilespmem:s25], [sflag:$0x1], $0x800, $0x38;
	[tilespmem:$0x8000] =	vst v63  }
0x3d: {  	s1 =	sand.u32 $0x1FFFFE00, s9;
	s26 =	sadd.s32 $0xF00, s5;
	s9 =	sadd.s32 $0x27F0, s6  }
0x3e: {  	[hbm4b:s0+s3] =	stream.linear.scatter [tilespmem:s9], [sflag:$0x1], $0x800, $0x38;
	[tilespmem:$0x8000] =	vst v63  }
0x3f: {  	s23 =	sadd.s32 $0x17F0, s6;
	s1 =	sadd.s32 s2, s1;
	s10 =	sand.u32 $0x1FFFFF00, s26  }
0x40: {  	[hbm4b:s1+s3] =	stream.linear.scatter [tilespmem:s23], [sflag:$0x1], $0x800, $0x38;
	[tilespmem:$0x8000] =	vst v63  }
0x41: {  	s24 =	sadd.s32 $0x7F0, s6;
	s0 =	sadd.s32 s2, s10  }
0x42: {  	[hbm4b:s0+s3] =	stream.linear.scatter [tilespmem:s24], [sflag:$0x1], $0x800, $0x38;
	[tilespmem:$0x8000] =	vst v63  }
0x43: {  	_ =	swait.ge [sflag:s4], $0x800  }
0x44: {  	[sflag:s4] =	ssyncset.done $0x0  }
0x45: {  	[sflag:s4] =	ssyncadd.s32 $0xFFFFF800  }
0x46: {  	_ =	swait.ge [sflag:s4], $0x800  }
0x47: {  	[sflag:s4] =	ssyncset.done $0x0  }
0x48: {  	[sflag:s4] =	ssyncadd.s32 $0xFFFFF800  }
0x49: {  	_ =	swait.ge [sflag:s4], $0x800  }
0x4a: {  	[sflag:s4] =	ssyncset.done $0x0  }
0x4b: {  	[sflag:s4] =	ssyncadd.s32 $0xFFFFF800  }
0x4c: {  	_ =	swait.ge [sflag:s4], $0x800  }
0x4d: {  	[sflag:s4] =	ssyncset.done $0x0  }
0x4e: {  	[sflag:s4] =	ssyncadd.s32 $0xFFFFF800  }
0x4f: {  	_ =	swait.ge [sflag:s4], $0x800  }
0x50: {  	s18 =	smov.u32 s30;
	s19 =	smov.u32 s31;
	[sflag:s4] =	ssyncset.done $0x0  }
0x51: {  	s8 =	sadd.s32 $0xD00, s29;
	s26 =	simm.s32 $0xFFFFFFE0;
	[sflag:s4] =	ssyncadd.s32 $0xFFFFF800  }
0x52: {  	s7 =	sadd.s32 $0xC00, s29;
	s6 =	sadd.s32 $0xB00, s29;
	_ =	swait.ge [sflag:s4], $0x800  }
0x53: {  	s25 =	sadd.s32 $0x900, s29;
	s31 =	sand.u32 $0x1FFFFB00, s6;
	[sflag:s4] =	ssyncset.done $0x0  }
0x54: {  	s9 =	sadd.s32 $0xE00, s29;
	s10 =	sadd.s32 $0xF00, s29;
	[sflag:s4] =	ssyncadd.s32 $0xFFFFF800  }
0x55: {  	s6 =	sand.u32 $0x1FFFFE00, s9;
	s1 =	sadd.s32 $0xA00, s29;
	_ =	swait.ge [sflag:s4], $0x800  }
0x56: {  	s23 =	sand.u32 $0x1FFFFF00, s10;
	s30 =	sand.u32 $0x1FFFFA00, s1;
	[sflag:s4] =	ssyncset.done $0x0  }
0x57: {  	s1 =	simm.s32 $0xFFFFFFC0;
	s24 =	sand.u32 $0x1FFFF900, s25;
	[sflag:s4] =	ssyncadd.s32 $0xFFFFF800  }
0x58: {  	s23 =	sadd.s32 s2, s23;
	s0 =	sand.u32 $0x1FFFFC00, s7;
	_ =	swait.ge [sflag:s4], $0x800  }
0x59: {  	s25 =	sand.u32 $0x1FFFFD00, s8;
	s8 =	rddreg [dreg:$0x3];
	[sflag:s4] =	ssyncset.done $0x0  }
.LBB2_2:
0x5a: {  	s29 =	sadd.s32 $0x800, s29;
	s26 =	sshra.s32 s26, $0x2  }
0x5b: {  	s10 =	sand.u32 $0x1FFFF800, s29;
	s8 =	sadd.s32 s26, s8  }
0x5c: {  	[sflag:s4] =	ssyncadd.s32 $0xFFFFF800;
	s10 =	sadd.s32 s2, s10;
	s26 =	sadd.s32 $0x77F0, s8  }
0x5d: {  	[hbm4b:s10+s3] =	stream.linear.scatter [tilespmem:s26], [sflag:$0x1], $0x800, $0x38;
	[tilespmem:$0x8000] =	vst v63  }
0x5e: {  	s24 =	sadd.s32 s2, s24;
	s26 =	sadd.s32 $0x67F0, s8  }
0x5f: {  	[hbm4b:s24+s3] =	stream.linear.scatter [tilespmem:s26], [sflag:$0x1], $0x800, $0x38;
	[tilespmem:$0x8000] =	vst v63  }
0x60: {  	s24 =	sadd.s32 s2, s30;
	s26 =	sadd.s32 $0x57F0, s8  }
0x61: {  	[hbm4b:s24+s3] =	stream.linear.scatter [tilespmem:s26], [sflag:$0x1], $0x800, $0x38;
	[tilespmem:$0x8000] =	vst v63  }
0x62: {  	s24 =	sadd.s32 s2, s31;
	s26 =	sadd.s32 $0x47F0, s8  }
0x63: {  	[hbm4b:s24+s3] =	stream.linear.scatter [tilespmem:s26], [sflag:$0x1], $0x800, $0x38;
	[tilespmem:$0x8000] =	vst v63  }
0x64: {  	s0 =	sadd.s32 s2, s0;
	s26 =	sadd.s32 $0x37F0, s8  }
0x65: {  	[hbm4b:s0+s3] =	stream.linear.scatter [tilespmem:s26], [sflag:$0x1], $0x800, $0x38;
	[tilespmem:$0x8000] =	vst v63  }
0x66: {  	s25 =	sadd.s32 s2, s25;
	s26 =	sadd.s32 $0x27F0, s8  }
0x67: {  	[hbm4b:s25+s3] =	stream.linear.scatter [tilespmem:s26], [sflag:$0x1], $0x800, $0x38;
	[tilespmem:$0x8000] =	vst v63  }
0x68: {  	s6 =	sadd.s32 s2, s6;
	s26 =	sadd.s32 $0x17F0, s8  }
0x69: {  	[hbm4b:s6+s3] =	stream.linear.scatter [tilespmem:s26], [sflag:$0x1], $0x800, $0x38;
	[tilespmem:$0x8000] =	vst v63  }
0x6a: {  	s8 =	sadd.s32 $0x7F0, s8  }
0x6b: {  	[hbm4b:s23+s3] =	stream.linear.scatter [tilespmem:s8], [sflag:$0x1], $0x800, $0x38;
	[tilespmem:$0x8000] =	vst v63  }
0x6c: {  	_ =	swait.ge [sflag:s4], $0x800  }
0x6d: {  	[sflag:s4] =	ssyncset.done $0x0  }
0x6e: {  	[sflag:s4] =	ssyncadd.s32 $0xFFFFF800  }
0x6f: {  	_ =	swait.ge [sflag:s4], $0x800  }
0x70: {  	[sflag:s4] =	ssyncset.done $0x0  }
0x71: {  	[sflag:s4] =	ssyncadd.s32 $0xFFFFF800  }
0x72: {  	_ =	swait.ge [sflag:s4], $0x800  }
0x73: {  	[sflag:s4] =	ssyncset.done $0x0  }
0x74: {  	[sflag:s4] =	ssyncadd.s32 $0xFFFFF800  }
0x75: {  	_ =	swait.ge [sflag:s4], $0x800  }
0x76: {  	[sflag:s4] =	ssyncset.done $0x0  }
0x77: {  	[sflag:s4] =	ssyncadd.s32 $0xFFFFF800  }
0x78: {  	s7 =	smov.u32 s1;
	p0 =	sne.s32 s1, $0xFFFFF040;
	_ =	swait.ge [sflag:s4], $0x800  }
0x79: {  	s1 =	sadd.s32 $0xFFFFFFE0, s1;
	s9 =	sadd.s32 $0x900, s29;
	[sflag:s4] =	ssyncset.done $0x0  }
0x7a: {  	s9 =	sand.u32 $0x1FFFF900, s9;
	s10 =	sadd.s32 $0xA00, s29;
	[sflag:s4] =	ssyncadd.s32 $0xFFFFF800  }
0x7b: {  	s30 =	sand.u32 $0x1FFFFA00, s10;
	s10 =	sadd.s32 $0xB00, s29;
	_ =	swait.ge [sflag:s4], $0x800  }
0x7c: {  	s31 =	sand.u32 $0x1FFFFB00, s10;
	s10 =	sadd.s32 $0xC00, s29;
	[sflag:s4] =	ssyncset.done $0x0  }
0x7d: {  	s24 =	smov.u32 s9;
	s0 =	sand.u32 $0x1FFFFC00, s10;
	[sflag:s4] =	ssyncadd.s32 $0xFFFFF800  }
.Ltmp0:
0x7e: {  	s10 =	sadd.s32 $0xD00, s29;
	_ =	swait.ge [sflag:s4], $0x800;
	(pc) =	sbr.rel @p0 .LBB2_2-.Ltmp0, $4  }
0x7f: {  	s25 =	sand.u32 $0x1FFFFD00, s10;
	s10 =	sadd.s32 $0xE00, s29;
	[sflag:s4] =	ssyncset.done $0x0  }
0x80: {  	s6 =	sand.u32 $0x1FFFFE00, s10;
	s26 =	sadd.s32 $0xF00, s29;
	[sflag:s4] =	ssyncadd.s32 $0xFFFFF800  }
0x81: {  	s10 =	sand.u32 $0x1FFFFF00, s26;
	s26 =	smov.u32 s7;
	_ =	swait.ge [sflag:s4], $0x800  }
0x82: {  	s23 =	sadd.s32 s2, s10;
	s8 =	rddreg [dreg:$0x3];
	[sflag:s4] =	ssyncset.done $0x0  }
0x83: {  	s1 =	sadd.s32 $0x800, s29;
	s7 =	sshra.s32 s26, $0x2  }
0x84: {  	s1 =	sand.u32 $0x1FFFF800, s1;
	s7 =	sadd.s32 s7, s8  }
0x85: {  	[sflag:s4] =	ssyncadd.s32 $0xFFFFF800;
	s1 =	sadd.s32 s2, s1;
	s8 =	sadd.s32 $0x77F0, s7  }
0x86: {  	[hbm4b:s1+s3] =	stream.linear.scatter [tilespmem:s8], [sflag:$0x1], $0x800, $0x38;
	[tilespmem:$0x8000] =	vst v63  }
0x87: {  	s9 =	sadd.s32 s2, s24;
	s10 =	sadd.s32 $0x67F0, s7  }
0x88: {  	[hbm4b:s9+s3] =	stream.linear.scatter [tilespmem:s10], [sflag:$0x1], $0x800, $0x38;
	[tilespmem:$0x8000] =	vst v63  }
0x89: {  	s24 =	sadd.s32 s2, s30;
	s26 =	sadd.s32 $0x57F0, s7  }
0x8a: {  	[hbm4b:s24+s3] =	stream.linear.scatter [tilespmem:s26], [sflag:$0x1], $0x800, $0x38;
	[tilespmem:$0x8000] =	vst v63  }
0x8b: {  	s9 =	sadd.s32 s2, s31;
	s10 =	sadd.s32 $0x47F0, s7  }
0x8c: {  	[hbm4b:s9+s3] =	stream.linear.scatter [tilespmem:s10], [sflag:$0x1], $0x800, $0x38;
	[tilespmem:$0x8000] =	vst v63  }
0x8d: {  	s0 =	sadd.s32 s2, s0;
	s24 =	sadd.s32 $0x37F0, s7  }
0x8e: {  	[hbm4b:s0+s3] =	stream.linear.scatter [tilespmem:s24], [sflag:$0x1], $0x800, $0x38;
	[tilespmem:$0x8000] =	vst v63  }
0x8f: {  	s25 =	sadd.s32 s2, s25;
	s26 =	sadd.s32 $0x27F0, s7  }
0x90: {  	[hbm4b:s25+s3] =	stream.linear.scatter [tilespmem:s26], [sflag:$0x1], $0x800, $0x38;
	[tilespmem:$0x8000] =	vst v63  }
0x91: {  	s8 =	sadd.s32 s2, s6;
	s9 =	sadd.s32 $0x17F0, s7  }
0x92: {  	[hbm4b:s8+s3] =	stream.linear.scatter [tilespmem:s9], [sflag:$0x1], $0x800, $0x38;
	[tilespmem:$0x8000] =	vst v63  }
0x93: {  	s10 =	sadd.s32 $0x7F0, s7  }
0x94: {  	[hbm4b:s23+s3] =	stream.linear.scatter [tilespmem:s10], [sflag:$0x1], $0x800, $0x38;
	[tilespmem:$0x8000] =	vst v63  }
0x95: {  	_ =	swait.ge [sflag:s4], $0x800  }
0x96: {  	[sflag:s4] =	ssyncset.done $0x0  }
0x97: {  	[sflag:s4] =	ssyncadd.s32 $0xFFFFF800  }
0x98: {  	_ =	swait.ge [sflag:s4], $0x800  }
0x99: {  	[sflag:s4] =	ssyncset.done $0x0  }
0x9a: {  	[sflag:s4] =	ssyncadd.s32 $0xFFFFF800  }
0x9b: {  	_ =	swait.ge [sflag:s4], $0x800  }
0x9c: {  	[sflag:s4] =	ssyncset.done $0x0  }
0x9d: {  	[sflag:s4] =	ssyncadd.s32 $0xFFFFF800  }
0x9e: {  	_ =	swait.ge [sflag:s4], $0x800  }
0x9f: {  	[sflag:s4] =	ssyncset.done $0x0  }
0xa0: {  	[sflag:s4] =	ssyncadd.s32 $0xFFFFF800  }
0xa1: {  	_ =	swait.ge [sflag:s4], $0x800  }
0xa2: {  	[sflag:s4] =	ssyncset.done $0x0  }
0xa3: {  	[sflag:s4] =	ssyncadd.s32 $0xFFFFF800  }
0xa4: {  	_ =	swait.ge [sflag:s4], $0x800  }
0xa5: {  	[sflag:s4] =	ssyncset.done $0x0  }
0xa6: {  	[sflag:s4] =	ssyncadd.s32 $0xFFFFF800  }
0xa7: {  	_ =	swait.ge [sflag:s4], $0x800  }
0xa8: {  	[sflag:s4] =	ssyncset.done $0x0  }
0xa9: {  	[sflag:s4] =	ssyncadd.s32 $0xFFFFF800  }
0xaa: {  	_ =	swait.ge [sflag:s4], $0x800  }
0xab: {  	[sflag:s4] =	ssyncset.done $0x0;
	s9 =	rddreg [dreg:$0x7]  }
0xac: {  	s10 =	rddreg [dreg:$0x8];
	[sflag:s4] =	ssyncadd.s32 $0xFFFFF800  }
0xad: {  	[hbm4b:s10+s3] =	stream.linear.scatter [tilespmem:s9], [sflag:$0x1], $0x800, $0x38;
	[tilespmem:$0x8000] =	vst v63  }
0xae: {  	_ = 	snop  }
0xaf: {  	[hbm4b:s14+s3] =	stream.linear.scatter [tilespmem:s13], [sflag:$0x1], $0x800, $0x38;
	[tilespmem:$0x8000] =	vst v63  }
0xb0: {  	_ = 	snop  }
0xb1: {  	[hbm4b:s16+s3] =	stream.linear.scatter [tilespmem:s15], [sflag:$0x1], $0x800, $0x38;
	[tilespmem:$0x8000] =	vst v63  }
0xb2: {  	_ = 	snop  }
0xb3: {  	[hbm4b:s18+s3] =	stream.linear.scatter [tilespmem:s17], [sflag:$0x1], $0x800, $0x38;
	[tilespmem:$0x8000] =	vst v63  }
0xb4: {  	_ = 	snop  }
0xb5: {  	[hbm4b:s20+s3] =	stream.linear.scatter [tilespmem:s19], [sflag:$0x1], $0x800, $0x38;
	[tilespmem:$0x8000] =	vst v63  }
0xb6: {  	s8 =	rddreg [dreg:$0x5]  }
0xb7: {  	[hbm4b:s22+s3] =	stream.linear.scatter [tilespmem:s21], [sflag:$0x1], $0x800, $0x38;
	[tilespmem:$0x8000] =	vst v63  }
0xb8: {  	s25 =	smov.u32 s15;
	s15 =	rddreg [dreg:$0x6]  }
0xb9: {  	[hbm4b:s15+s3] =	stream.linear.scatter [tilespmem:s8], [sflag:$0x1], $0x800, $0x38;
	[tilespmem:$0x8000] =	vst v63  }
0xba: {  	s24 =	smov.u32 s14;
	s14 =	smov.u32 s11  }
0xbb: {  	[hbm4b:s12+s3] =	stream.linear.scatter [tilespmem:s14], [sflag:$0x1], $0x800, $0x38;
	[tilespmem:$0x8000] =	vst v63  }
0xbc: {  	_ =	swait.ge [sflag:s4], $0x800  }
0xbd: {  	[sflag:s4] =	ssyncset.done $0x0  }
0xbe: {  	[sflag:s4] =	ssyncadd.s32 $0xFFFFF800  }
0xbf: {  	_ =	swait.ge [sflag:s4], $0x800  }
0xc0: {  	[sflag:s4] =	ssyncset.done $0x0  }
0xc1: {  	[sflag:s4] =	ssyncadd.s32 $0xFFFFF800  }
0xc2: {  	_ =	swait.ge [sflag:s4], $0x800  }
0xc3: {  	[sflag:s4] =	ssyncset.done $0x0  }
0xc4: {  	[sflag:s4] =	ssyncadd.s32 $0xFFFFF800  }
0xc5: {  	_ =	swait.ge [sflag:s4], $0x800  }
0xc6: {  	[sflag:s4] =	ssyncset.done $0x0  }
0xc7: {  	[sflag:s4] =	ssyncadd.s32 $0xFFFFF800  }
0xc8: {  	_ =	swait.ge [sflag:s4], $0x800  }
0xc9: {  	[sflag:s4] =	ssyncset.done $0x0  }
0xca: {  	[sflag:s4] =	ssyncadd.s32 $0xFFFFF800  }
0xcb: {  	_ =	swait.ge [sflag:s4], $0x800  }
0xcc: {  	[sflag:s4] =	ssyncset.done $0x0  }
0xcd: {  	[sflag:s4] =	ssyncadd.s32 $0xFFFFF800  }
0xce: {  	_ =	swait.ge [sflag:s4], $0x800  }
0xcf: {  	[sflag:s4] =	ssyncset.done $0x0  }
0xd0: {  	[sflag:s4] =	ssyncadd.s32 $0xFFFFF800  }
0xd1: {  	_ =	swait.ge [sflag:s4], $0x800  }
0xd2: {  	[sflag:s4] =	ssyncset.done $0x0  }
0xd3: {  	[sflag:s4] =	ssyncadd.s32 $0xFFFFF800  }
0xd4: {  	_ =	swait.ge [sflag:s4], $0x800  }
0xd5: {  	[sflag:s4] =	ssyncset.done $0x0  }
0xd6: {  	[sflag:s4] =	ssyncadd.s32 $0xFFFFF800  }
0xd7: {  	_ =	swait.ge [sflag:s4], $0x800  }
0xd8: {  	[sflag:s4] =	ssyncset.done $0x0  }
0xd9: {  	[sflag:s4] =	ssyncadd.s32 $0xFFFFF800  }
0xda: {  	_ =	swait.ge [sflag:s4], $0x800  }
0xdb: {  	[sflag:s4] =	ssyncset.done $0x0  }
0xdc: {  	[sflag:s4] =	ssyncadd.s32 $0xFFFFF800  }
0xdd: {  	_ =	swait.ge [sflag:s4], $0x800  }
0xde: {  	[sflag:s4] =	ssyncset.done $0x0  }
0xdf: {  	[sflag:s4] =	ssyncadd.s32 $0xFFFFF800  }
0xe0: {  	_ =	swait.ge [sflag:s4], $0x800  }
0xe1: {  	[sflag:s4] =	ssyncset.done $0x0  }
0xe2: {  	[sflag:s4] =	ssyncadd.s32 $0xFFFFF800  }
0xe3: {  	_ =	swait.ge [sflag:s4], $0x800  }
0xe4: {  	[sflag:s4] =	ssyncset.done $0x0  }
0xe5: {  	[sflag:s4] =	ssyncadd.s32 $0xFFFFF800  }
0xe6: {  	_ =	swait.ge [sflag:s4], $0x800  }
0xe7: {  	[sflag:s4] =	ssyncset.done $0x0  }
0xe8: {  	[sflag:s4] =	ssyncadd.s32 $0xFFFFF800  }
0xe9: {  	_ =	swait.ge [sflag:s4], $0x800  }
0xea: {  	s28 =	sadd.s32 $0x1, s28;
	s7 =	smov.u32 s22;
	s22 =	rddreg [dreg:$0x9]  }
0xeb: {  	p0 =	sne.s32 s28, s22  }
.Ltmp1:
0xec: {  	_ = 	snop;
	(pc) =	sbr.rel @p0 .LBB2_1-.Ltmp1, $4  }
0xed: {  	s29 =	smov.u32 s17  }
0xee: {  	s30 =	smov.u32 s18;
	s1 =	smov.u32 s20;
	s6 =	smov.u32 s21  }
0xef: {  	s31 =	smov.u32 s19;
	s26 =	smov.u32 s16;
	[sflag:s4] =	ssyncset.done $0x0  }
0xf0: {  	s23 =	smov.u32 s13;
	s11 =	smov.u32 s12;
	[sflag:s4] =	ssyncadd.s32 $0xFFFFF800  }
0xf1: {  	_ =	sfence.sel $0x180000  }
0xf2: {  	[bflag:$0x0] =	sbarrier.arrive $0xFFFF  }
0xf3: {  	_ =	strace $0x90000047  }
0xf4: {  	s0 =	stileid.u32;
	[bflag:$0x2] =	sbarrier.arrive $0xFFFF  }
0xf5: {  	p0 =	sne.s32 s0, $0x0;
	s0 =	rddreg [dreg:$0x2]  }
0xf6: {  	s0 =	sadd.s32 @!p0 $0x100000, s0  }
0xf7: {  	[sflag:s0] =	ssyncadd.tile.s32 @!p0 $0x1;
	_ =	shalt  }
.Lfunc_end2:
_tile_overlayer_lowered:
.L_overlay_start_2:
0xf8: {  	(tag) =	ssettag $0x2  }
0xf9: {  	s0 =	rddreg [dreg:$0x0];
	s2 =	stileid.u32  }
0xfa: {  	s1 =	rddreg [dreg:$0x1];
	p0 =	sne.s32 s2, $0x0  }
0xfb: {  	s3 =	rddreg [dreg:$0x2];
	[bflag:$0x3] =	sbarrier.arrive $0xFFFF;
	s2 =	simm.s32 @!p0 $0x1C02  }
0xfc: {  	[timem:s3], [sflag:s2] =	dma.local @!p0 [hbm:s0], s1  }
0xfd: {  	s0 =	simm.s32 @!p0 $0x2  }
0xfe: {  	_ =	swait.ge @!p0 [sflag:s0], s1  }
0xff: {  	s1 =	ssub.s32 @!p0 $0x0, s1;
	[sflag:s0] =	ssyncset.done @!p0 $0x0  }
0x100: {  	[sflag:s0] =	ssyncadd.s32 @!p0 s1  }
0x101: {  	[bflag:$0x3] =	sbarrier.arrive $0xFFFF  }
0x102: {  	_ =	shalt  }

</sc_bundles>
